<compile_context>
chip_gen: v7x
topology: tpu7x:2x2x1
jax: 0.10.2.dev20260603
libtpu: 0.0.44.dev20260713+nightly
codegen_flags: <defaults>
</compile_context>

<pallas_src>
import functools

import jax
import jax.numpy as jnp
from jax import lax
from jax.experimental import pallas as pl
from jax.experimental.pallas import tpu as pltpu
from jax.experimental.pallas import tpu_sc as plsc

NC = 2
NS = 16
CHUNK = 80

@functools.cache
def _mesh():
    return plsc.VectorSubcoreMesh(core_axis_name="c", subcore_axis_name="s",
                                  num_cores=NC, num_subcores=NS)



def _deg_body(n, ept, nch, ones_hbm, row_hbm, zeros_hbm, out_hbm,
              idx_v, ones_v, acc_sh, sem):
    c = lax.axis_index("c")
    s = lax.axis_index("s")
    rpt = n // NS
    pltpu.sync_copy(zeros_hbm.at[pl.ds(s * rpt, rpt)],
                    acc_sh.at[pl.ds(s * rpt, rpt)])
    pltpu.sync_copy(ones_hbm, ones_v)
    plsc.subcore_barrier()
    base = (c * NS + s) * ept

    def chunk(i, carry):
        pltpu.sync_copy(row_hbm.at[pl.ds(base + i * CHUNK, CHUNK)], idx_v)
        pltpu.sync_copy(ones_v, acc_sh.at[idx_v], add=True)
        return carry

    lax.fori_loop(0, nch, chunk, 0)
    plsc.subcore_barrier()
    pltpu.sync_copy(acc_sh.at[pl.ds(s * rpt, rpt)],
                    out_hbm.at[c, pl.ds(s * rpt, rpt)])


def _agg_body(n, d, ept, nch, s_hbm, row_hbm, col_hbm, zeros_hbm, out_hbm,
              ridx_v, cidx_v, rows_v, acc_sh, sem):
    c = lax.axis_index("c")
    s = lax.axis_index("s")
    rpt = n // NS
    pltpu.sync_copy(zeros_hbm.at[pl.ds(s * rpt, rpt)],
                    acc_sh.at[pl.ds(s * rpt, rpt)])
    plsc.subcore_barrier()
    base = (c * NS + s) * ept

    def chunk(i, carry):
        off = base + i * CHUNK
        pltpu.sync_copy(row_hbm.at[pl.ds(off, CHUNK)], ridx_v)
        pltpu.sync_copy(col_hbm.at[pl.ds(off, CHUNK)], cidx_v)
        pltpu.async_copy(s_hbm.at[ridx_v], rows_v, sem).wait()
        pltpu.sync_copy(rows_v, acc_sh.at[cidx_v], add=True)
        return carry

    lax.fori_loop(0, nch, chunk, 0)
    plsc.subcore_barrier()
    pltpu.sync_copy(acc_sh.at[pl.ds(s * rpt, rpt)],
                    out_hbm.at[c, pl.ds(s * rpt, rpt)])


def _pad_rows(n):
    rpt = -(-n // NS)
    rpt = -(-rpt // 8) * 8
    return rpt * NS


def _sc_degree(row, n):
    e = row.shape[0]
    ept = e // (NC * NS)
    nch = ept // CHUNK
    npad = _pad_rows(n)
    ones = jnp.ones((CHUNK, 128), jnp.float32)
    zeros = jnp.zeros((npad, 128), jnp.float32)
    body = functools.partial(_deg_body, npad, ept, nch)
    return pl.kernel(
        body,
        out_type=jax.ShapeDtypeStruct((NC, npad, 128), jnp.float32),
        mesh=_mesh(),
        scratch_types=[
            pltpu.VMEM((CHUNK,), jnp.int32),
            pltpu.VMEM((CHUNK, 128), jnp.float32),
            pltpu.VMEM_SHARED((npad, 128), jnp.float32),
            pltpu.SemaphoreType.DMA,
        ],
    )(ones, row, zeros)


def _sc_aggregate(sval, row, col):
    n, d = sval.shape
    e = row.shape[0]
    ept = e // (NC * NS)
    nch = ept // CHUNK
    npad = _pad_rows(n)
    zeros = jnp.zeros((npad, d), jnp.float32)
    body = functools.partial(_agg_body, npad, d, ept, nch)
    return pl.kernel(
        body,
        out_type=jax.ShapeDtypeStruct((NC, npad, d), jnp.float32),
        mesh=_mesh(),
        scratch_types=[
            pltpu.VMEM((CHUNK,), jnp.int32),
            pltpu.VMEM((CHUNK,), jnp.int32),
            pltpu.VMEM((CHUNK, d), jnp.float32),
            pltpu.VMEM_SHARED((npad, d), jnp.float32),
            pltpu.SemaphoreType.DMA,
        ],
    )(sval, row, col, zeros)



def _dis_from(dp):
    deg = (dp[0] + dp[1]).sum(axis=-1) * (1.0 / 128.0) + 1.0
    return lax.rsqrt(deg)


def _tc1_body(x_ref, w_ref, dp_ref, o_ref):
    dis = _dis_from(dp_ref[...])
    y = lax.dot_general(x_ref[...], w_ref[...], (((1,), (1,)), ((), ())),
                        preferred_element_type=jnp.float32)
    o_ref[...] = y * dis[:, None]


def _tc2_body(agg_ref, s1_ref, dp_ref, b1_ref, w2_ref, o_ref):
    dis = _dis_from(dp_ref[...])
    t = (agg_ref[0] + agg_ref[1] + s1_ref[...]) * dis[:, None] + b1_ref[...]
    h = jnp.maximum(t, 0.0)
    y = lax.dot_general(h, w2_ref[...], (((1,), (1,)), ((), ())),
                        preferred_element_type=jnp.float32)
    o_ref[...] = y * dis[:, None]


def _tc3_body(agg_ref, s2_ref, dp_ref, b2_ref, o_ref):
    dis = _dis_from(dp_ref[...])
    o = (agg_ref[0] + agg_ref[1] + s2_ref[...]) * dis[:, None] + b2_ref[...]
    m = jnp.max(o, axis=1, keepdims=True)
    lse = jnp.log(jnp.sum(jnp.exp(o - m), axis=1, keepdims=True)) + m
    o_ref[...] = o - lse


_BR = 400


def _tc_call(body, out_shape, specs, args):
    n = out_shape[0]
    return pl.pallas_call(
        body,
        grid=(n // _BR,),
        in_specs=specs,
        out_specs=pl.BlockSpec((_BR, out_shape[1]), lambda i: (i, 0)),
        out_shape=jax.ShapeDtypeStruct(out_shape, jnp.float32),
    )(*args)


def _spec_rows(d):
    return pl.BlockSpec((_BR, d), lambda i: (i, 0))


def _spec_full(shape):
    nd = len(shape)
    return pl.BlockSpec(shape, lambda i, _nd=nd: (0,) * _nd)


def _spec_part(d):
    return pl.BlockSpec((NC, _BR, d), lambda i: (0, i, 0))


def kernel(x, edge_index, W1, b1, W2, b2):
    n, d_in = x.shape
    row = edge_index[0]
    col = edge_index[1]

    deg_part = _sc_degree(row, n)

    s1 = _tc_call(_tc1_body, (n, W1.shape[0]),
                  [_spec_rows(d_in), _spec_full(W1.shape), _spec_part(128)],
                  (x, W1, deg_part))

    agg1 = _sc_aggregate(s1, row, col)

    s2 = _tc_call(_tc2_body, (n, W2.shape[0]),
                  [_spec_part(s1.shape[1]), _spec_rows(s1.shape[1]),
                   _spec_part(128), _spec_full((1, b1.shape[0])),
                   _spec_full(W2.shape)],
                  (agg1, s1, deg_part, b1.reshape(1, -1), W2))

    agg2 = _sc_aggregate(s2, row, col)

    out = _tc_call(_tc3_body, (n, W2.shape[0]),
                   [_spec_part(s2.shape[1]), _spec_rows(s2.shape[1]),
                    _spec_part(128), _spec_full((1, b2.shape[0]))],
                   (agg2, s2, deg_part, b2.reshape(1, -1)))
    return out

# --- scband reference (transcript-rebuilt; emitter-appended) ---
"""Pipeline reference for scband-dense-gcn-21045339750898 (READ-ONLY COPY).

The authoritative reference and input builder live on the scoring server;
editing this copy changes nothing except your own understanding.
"""

import jax, jax.numpy as jnp
import numpy as np

N = 10000
E = 320000
D_IN = 128
D_H = 128
D_OUT = 128


def setup_inputs(seed: int = 0):
    key = jax.random.key(seed)
    k1, k2, k3, k4 = jax.random.split(key, 4)
    x = jax.random.normal(k1, (N, D_IN), dtype=jnp.float32)
    edge_index = jax.random.randint(k2, (2, E), 0, N, dtype=jnp.int32)
    W1 = jax.random.normal(k3, (D_H, D_IN), dtype=jnp.float32) * 0.05
    b1 = jnp.zeros((D_H,), dtype=jnp.float32)
    W2 = jax.random.normal(k4, (D_OUT, D_H), dtype=jnp.float32) * 0.05
    b2 = jnp.zeros((D_OUT,), dtype=jnp.float32)
    return {"x": x, "edge_index": edge_index, "W1": W1, "b1": b1, "W2": W2, "b2": b2}


def gcn_conv(x, edge_index, W, b):
    # x = self.lin(x)
    x = x @ W.T
    n = x.shape[0]
    # add self loops with edge_weight fill_value=1.0 (edge_weight defaults to ones)
    loop = jnp.arange(n, dtype=edge_index.dtype)
    ei = jnp.concatenate([edge_index, jnp.stack([loop, loop])], axis=1)
    ew = jnp.ones((ei.shape[1],), dtype=x.dtype)
    row, col = ei[0], ei[1]
    # degree(row) counts occurrences of row index
    deg = jnp.zeros((n,), dtype=x.dtype).at[row].add(1.0)
    deg_inv_sqrt = deg ** -0.5
    norm = deg_inv_sqrt[row] * ew * deg_inv_sqrt[col]
    # propagate aggr='add', flow source_to_target: x_j = x[row], scatter-add into col
    out = jnp.zeros_like(x).at[col].add(norm[:, None] * x[row])
    return out + b


def reference(x, edge_index, W1, b1, W2, b2):
    h = jax.nn.relu(gcn_conv(x, edge_index, W1, b1))
    # dropout is identity in eval mode
    o = gcn_conv(h, edge_index, W2, b2)
    return jax.nn.log_softmax(o, axis=1)

if __name__ == "__main__":
    import jax
    _d = setup_inputs()
    print(jax.jit(kernel)(*tuple(_d.values())))

</pallas_src>

<mosaic_0001>
#map = affine_map<(d0, d1) -> (0, 0)>
#map1 = affine_map<(d0, d1) -> (0)>
#map2 = affine_map<(d0, d1) -> (0, 0, 0)>
module attributes {stable_mosaic.version = 14 : i64} {
  func.func @_agg_body(%arg0: i32, %arg1: i32, %arg2: memref<10000x128xf32, #tpu.memory_space<hbm>>, %arg3: memref<320000xi32, #tpu.memory_space<hbm>>, %arg4: memref<320000xi32, #tpu.memory_space<hbm>>, %arg5: memref<10112x128xf32, #tpu.memory_space<hbm>>, %arg6: memref<2x10112x128xf32, #tpu.memory_space<hbm>>, %arg7: memref<80xi32, #tpu.memory_space<vmem>>, %arg8: memref<80xi32, #tpu.memory_space<vmem>>, %arg9: memref<80x128xf32, #tpu.memory_space<vmem>>, %arg10: memref<10112x128xf32, #tpu.memory_space<vmem_shared>>, %arg11: memref<!tpu.dma_semaphore, #tpu.memory_space<semaphore_mem>>) attributes {dimension_semantics = [#tpu.dimension_semantics<core_parallel>, #tpu.dimension_semantics<subcore_parallel>], iteration_bounds = array<i64: 2, 16>, scalar_prefetch = 0 : i64, scratch_operands = 5 : i64, tpu.core_type = #tpu.core_type<sc_vector_subcore>, window_params = [{transform_indices = #map}, {transform_indices = #map1}, {transform_indices = #map1}, {transform_indices = #map}, {transform_indices = #map2}]} {
    %mul3A = arith.constant 632 : i32
    %mul3A_0 = arith.muli %arg1, %mul3A : i32
    %mul3A_1 = arith.constant 632 : i32
    %mul3A_2 = arith.muli %arg1, %mul3A_1 : i32
    "tpu.region"() ({
      %run_scoped3A = tpu.sem_alloc : memref<!tpu.dma_semaphore, #tpu.memory_space<semaphore_mem>>
      %dma_start3A = arith.constant 0 : i32
      %dma_start3A_17 = tpu.memref_slice %arg10[%mul3A_2, %dma_start3A] : memref<10112x128xf32, #tpu.memory_space<vmem_shared>> -> memref<632x128xf32, #tpu.memory_space<vmem_shared>>
      %dma_start3A_18 = arith.constant 0 : i32
      %dma_start3A_19 = tpu.memref_slice %arg5[%mul3A_0, %dma_start3A_18] : memref<10112x128xf32, #tpu.memory_space<hbm>> -> memref<632x128xf32, #tpu.memory_space<hbm>>
      tpu.enqueue_dma source(%dma_start3A_19 : memref<632x128xf32, #tpu.memory_space<hbm>>) target(%dma_start3A_17 : memref<632x128xf32, #tpu.memory_space<vmem_shared>>) target_semaphore(%run_scoped3A : memref<!tpu.dma_semaphore, #tpu.memory_space<semaphore_mem>>)
      %dma_wait3A = arith.constant 0 : i32
      %dma_wait3A_20 = tpu.memref_slice %arg10[%mul3A_2, %dma_wait3A] : memref<10112x128xf32, #tpu.memory_space<vmem_shared>> -> memref<632x128xf32, #tpu.memory_space<vmem_shared>>
      %dma_wait3A_21 = arith.constant 0 : i32
      %dma_wait3A_22 = tpu.memref_slice %arg5[%mul3A_0, %dma_wait3A_21] : memref<10112x128xf32, #tpu.memory_space<hbm>> -> memref<632x128xf32, #tpu.memory_space<hbm>>
      tpu.wait_dma2 semaphore(%run_scoped3A : memref<!tpu.dma_semaphore, #tpu.memory_space<semaphore_mem>>) src(%dma_wait3A_22 : memref<632x128xf32, #tpu.memory_space<hbm>>) dst(%dma_wait3A_20 : memref<632x128xf32, #tpu.memory_space<vmem_shared>>)
      tpu.yield
    }) : () -> ()
    %barrier3A = arith.constant 0 : index
    tpu.barrier barrier_id(%barrier3A)
    %mul3A_3 = arith.constant 16 : i32
    %mul3A_4 = arith.muli %arg0, %mul3A_3 : i32
    %add3A = arith.addi %mul3A_4, %arg1 : i32
    %mul3A_5 = arith.constant 10000 : i32
    %mul3A_6 = arith.muli %add3A, %mul3A_5 : i32
    %scan3A = arith.constant 0 : i32
    %scan3A_7 = arith.constant 0 : i32
    %scan3A_8 = arith.constant 125 : i32
    %scan3A_9 = arith.addi %scan3A_7, %scan3A_8 : i32
    %scan3A_10 = arith.constant 1 : i32
    scf.for %scan3A_17 = %scan3A_7 to %scan3A_9 step %scan3A_10  : i32 {
      %mul3A_18 = arith.constant 80 : i32
      %mul3A_19 = arith.muli %scan3A_17, %mul3A_18 : i32
      %add3A_20 = arith.addi %mul3A_6, %mul3A_19 : i32
      "tpu.region"() ({
        %run_scoped3A = tpu.sem_alloc : memref<!tpu.dma_semaphore, #tpu.memory_space<semaphore_mem>>
        %dma_start3A_25 = tpu.memref_slice %arg3[%add3A_20] : memref<320000xi32, #tpu.memory_space<hbm>> -> memref<80xi32, #tpu.memory_space<hbm>>
        %dma_start3A_26 = tpu.memref_slice %arg3[%add3A_20] : memref<320000xi32, #tpu.memory_space<hbm>> -> memref<80xi32, #tpu.memory_space<hbm>>
        tpu.enqueue_dma source(%dma_start3A_26 : memref<80xi32, #tpu.memory_space<hbm>>) target(%arg7 : memref<80xi32, #tpu.memory_space<vmem>>) target_semaphore(%run_scoped3A : memref<!tpu.dma_semaphore, #tpu.memory_space<semaphore_mem>>)
        %dma_wait3A_27 = tpu.memref_slice %arg3[%add3A_20] : memref<320000xi32, #tpu.memory_space<hbm>> -> memref<80xi32, #tpu.memory_space<hbm>>
        %dma_wait3A_28 = tpu.memref_slice %arg3[%add3A_20] : memref<320000xi32, #tpu.memory_space<hbm>> -> memref<80xi32, #tpu.memory_space<hbm>>
        tpu.wait_dma2 semaphore(%run_scoped3A : memref<!tpu.dma_semaphore, #tpu.memory_space<semaphore_mem>>) src(%dma_wait3A_28 : memref<80xi32, #tpu.memory_space<hbm>>) dst(%arg7 : memref<80xi32, #tpu.memory_space<vmem>>)
        tpu.yield
      }) : () -> ()
      "tpu.region"() ({
        %run_scoped3A = tpu.sem_alloc : memref<!tpu.dma_semaphore, #tpu.memory_space<semaphore_mem>>
        %dma_start3A_25 = tpu.memref_slice %arg4[%add3A_20] : memref<320000xi32, #tpu.memory_space<hbm>> -> memref<80xi32, #tpu.memory_space<hbm>>
        %dma_start3A_26 = tpu.memref_slice %arg4[%add3A_20] : memref<320000xi32, #tpu.memory_space<hbm>> -> memref<80xi32, #tpu.memory_space<hbm>>
        tpu.enqueue_dma source(%dma_start3A_26 : memref<80xi32, #tpu.memory_space<hbm>>) target(%arg8 : memref<80xi32, #tpu.memory_space<vmem>>) target_semaphore(%run_scoped3A : memref<!tpu.dma_semaphore, #tpu.memory_space<semaphore_mem>>)
        %dma_wait3A_27 = tpu.memref_slice %arg4[%add3A_20] : memref<320000xi32, #tpu.memory_space<hbm>> -> memref<80xi32, #tpu.memory_space<hbm>>
        %dma_wait3A_28 = tpu.memref_slice %arg4[%add3A_20] : memref<320000xi32, #tpu.memory_space<hbm>> -> memref<80xi32, #tpu.memory_space<hbm>>
        tpu.wait_dma2 semaphore(%run_scoped3A : memref<!tpu.dma_semaphore, #tpu.memory_space<semaphore_mem>>) src(%dma_wait3A_28 : memref<80xi32, #tpu.memory_space<hbm>>) dst(%arg8 : memref<80xi32, #tpu.memory_space<vmem>>)
        tpu.yield
      }) : () -> ()
      %dma_start3A = arith.constant 0 : i32
      %dma_start3A_21 = arith.constant 0 : i32
      %dma_start3A_22 = tpu.memref_slice %arg2[%dma_start3A, %dma_start3A_21] : memref<10000x128xf32, #tpu.memory_space<hbm>> -> memref<10000x128xf32, #tpu.memory_space<hbm>>
      tpu.enqueue_indirect_dma source(%dma_start3A_22 : memref<10000x128xf32, #tpu.memory_space<hbm>>) target(%arg9 : memref<80x128xf32, #tpu.memory_space<vmem>>) offsets(%arg7 : memref<80xi32, #tpu.memory_space<vmem>>) semaphore(%arg11 : memref<!tpu.dma_semaphore, #tpu.memory_space<semaphore_mem>>)
      %dma_wait3A = arith.constant 0 : i32
      %dma_wait3A_23 = arith.constant 0 : i32
      %dma_wait3A_24 = tpu.memref_slice %arg2[%dma_wait3A, %dma_wait3A_23] : memref<10000x128xf32, #tpu.memory_space<hbm>> -> memref<10000x128xf32, #tpu.memory_space<hbm>>
      tpu.wait_indirect_dma semaphore(%arg11 : memref<!tpu.dma_semaphore, #tpu.memory_space<semaphore_mem>>) src(%dma_wait3A_24 : memref<10000x128xf32, #tpu.memory_space<hbm>>) dst(%arg9 : memref<80x128xf32, #tpu.memory_space<vmem>>)
      "tpu.region"() ({
        %run_scoped3A = tpu.sem_alloc : memref<!tpu.dma_semaphore, #tpu.memory_space<semaphore_mem>>
        %dma_start3A_25 = arith.constant 0 : i32
        %dma_start3A_26 = arith.constant 0 : i32
        %dma_start3A_27 = tpu.memref_slice %arg10[%dma_start3A_25, %dma_start3A_26] : memref<10112x128xf32, #tpu.memory_space<vmem_shared>> -> memref<10112x128xf32, #tpu.memory_space<vmem_shared>>
        tpu.enqueue_indirect_dma source(%arg9 : memref<80x128xf32, #tpu.memory_space<vmem>>) target(%dma_start3A_27 : memref<10112x128xf32, #tpu.memory_space<vmem_shared>>) offsets(%arg8 : memref<80xi32, #tpu.memory_space<vmem>>) semaphore(%run_scoped3A : memref<!tpu.dma_semaphore, #tpu.memory_space<semaphore_mem>>) {add = true}
        %dma_wait3A_28 = arith.constant 0 : i32
        %dma_wait3A_29 = arith.constant 0 : i32
        %dma_wait3A_30 = tpu.memref_slice %arg10[%dma_wait3A_28, %dma_wait3A_29] : memref<10112x128xf32, #tpu.memory_space<vmem_shared>> -> memref<10112x128xf32, #tpu.memory_space<vmem_shared>>
        tpu.wait_indirect_dma semaphore(%run_scoped3A : memref<!tpu.dma_semaphore, #tpu.memory_space<semaphore_mem>>) src(%arg9 : memref<80x128xf32, #tpu.memory_space<vmem>>) dst(%dma_wait3A_30 : memref<10112x128xf32, #tpu.memory_space<vmem_shared>>)
        tpu.yield
      }) : () -> ()
    }
    %scan3A_11 = arith.constant 125 : i32
    %barrier3A_12 = arith.constant 0 : index
    tpu.barrier barrier_id(%barrier3A_12)
    %mul3A_13 = arith.constant 632 : i32
    %mul3A_14 = arith.muli %arg1, %mul3A_13 : i32
    %mul3A_15 = arith.constant 632 : i32
    %mul3A_16 = arith.muli %arg1, %mul3A_15 : i32
    "tpu.region"() ({
      %run_scoped3A = tpu.sem_alloc : memref<!tpu.dma_semaphore, #tpu.memory_space<semaphore_mem>>
      %dma_start3A = arith.constant 0 : i32
      %dma_start3A_17 = tpu.memref_slice %arg6[%arg0, %mul3A_16, %dma_start3A] : memref<2x10112x128xf32, #tpu.memory_space<hbm>> -> memref<1x632x128xf32, #tpu.memory_space<hbm>>
      %dma_start3A_18 = tpu.memref_squeeze %dma_start3A_17 : memref<1x632x128xf32, #tpu.memory_space<hbm>> -> memref<632x128xf32, #tpu.memory_space<hbm>>
      %dma_start3A_19 = arith.constant 0 : i32
      %dma_start3A_20 = tpu.memref_slice %arg10[%mul3A_14, %dma_start3A_19] : memref<10112x128xf32, #tpu.memory_space<vmem_shared>> -> memref<632x128xf32, #tpu.memory_space<vmem_shared>>
      tpu.enqueue_dma source(%dma_start3A_20 : memref<632x128xf32, #tpu.memory_space<vmem_shared>>) target(%dma_start3A_18 : memref<632x128xf32, #tpu.memory_space<hbm>>) target_semaphore(%run_scoped3A : memref<!tpu.dma_semaphore, #tpu.memory_space<semaphore_mem>>)
      %dma_wait3A = arith.constant 0 : i32
      %dma_wait3A_21 = tpu.memref_slice %arg6[%arg0, %mul3A_16, %dma_wait3A] : memref<2x10112x128xf32, #tpu.memory_space<hbm>> -> memref<1x632x128xf32, #tpu.memory_space<hbm>>
      %dma_wait3A_22 = tpu.memref_squeeze %dma_wait3A_21 : memref<1x632x128xf32, #tpu.memory_space<hbm>> -> memref<632x128xf32, #tpu.memory_space<hbm>>
      %dma_wait3A_23 = arith.constant 0 : i32
      %dma_wait3A_24 = tpu.memref_slice %arg10[%mul3A_14, %dma_wait3A_23] : memref<10112x128xf32, #tpu.memory_space<vmem_shared>> -> memref<632x128xf32, #tpu.memory_space<vmem_shared>>
      tpu.wait_dma2 semaphore(%run_scoped3A : memref<!tpu.dma_semaphore, #tpu.memory_space<semaphore_mem>>) src(%dma_wait3A_24 : memref<632x128xf32, #tpu.memory_space<vmem_shared>>) dst(%dma_wait3A_22 : memref<632x128xf32, #tpu.memory_space<hbm>>)
      tpu.yield
    }) : () -> ()
    return
  }
}

#map = affine_map<(d0, d1) -> (0, 0)>
#map1 = affine_map<(d0, d1) -> (0)>
#map2 = affine_map<(d0, d1) -> (0, 0, 0)>
module attributes {stable_mosaic.version = 14 : i64} {
  func.func @_agg_body(%arg0: i32, %arg1: i32, %arg2: memref<10000x128xf32, #tpu.memory_space<hbm>>, %arg3: memref<320000xi32, #tpu.memory_space<hbm>>, %arg4: memref<320000xi32, #tpu.memory_space<hbm>>, %arg5: memref<10112x128xf32, #tpu.memory_space<hbm>>, %arg6: memref<2x10112x128xf32, #tpu.memory_space<hbm>>, %arg7: memref<80xi32, #tpu.memory_space<vmem>>, %arg8: memref<80xi32, #tpu.memory_space<vmem>>, %arg9: memref<80x128xf32, #tpu.memory_space<vmem>>, %arg10: memref<10112x128xf32, #tpu.memory_space<vmem_shared>>, %arg11: memref<!tpu.dma_semaphore, #tpu.memory_space<semaphore_mem>>) attributes {dimension_semantics = [#tpu.dimension_semantics<core_parallel>, #tpu.dimension_semantics<subcore_parallel>], iteration_bounds = array<i64: 2, 16>, scalar_prefetch = 0 : i64, scratch_operands = 5 : i64, tpu.core_type = #tpu.core_type<sc_vector_subcore>, window_params = [{transform_indices = #map}, {transform_indices = #map1}, {transform_indices = #map1}, {transform_indices = #map}, {transform_indices = #map2}]} {
    %mul3A = arith.constant 632 : i32
    %mul3A_0 = arith.muli %arg1, %mul3A : i32
    %mul3A_1 = arith.constant 632 : i32
    %mul3A_2 = arith.muli %arg1, %mul3A_1 : i32
    "tpu.region"() ({
      %run_scoped3A = tpu.sem_alloc : memref<!tpu.dma_semaphore, #tpu.memory_space<semaphore_mem>>
      %dma_start3A = arith.constant 0 : i32
      %dma_start3A_17 = tpu.memref_slice %arg10[%mul3A_2, %dma_start3A] : memref<10112x128xf32, #tpu.memory_space<vmem_shared>> -> memref<632x128xf32, #tpu.memory_space<vmem_shared>>
      %dma_start3A_18 = arith.constant 0 : i32
      %dma_start3A_19 = tpu.memref_slice %arg5[%mul3A_0, %dma_start3A_18] : memref<10112x128xf32, #tpu.memory_space<hbm>> -> memref<632x128xf32, #tpu.memory_space<hbm>>
      tpu.enqueue_dma source(%dma_start3A_19 : memref<632x128xf32, #tpu.memory_space<hbm>>) target(%dma_start3A_17 : memref<632x128xf32, #tpu.memory_space<vmem_shared>>) target_semaphore(%run_scoped3A : memref<!tpu.dma_semaphore, #tpu.memory_space<semaphore_mem>>)
      %dma_wait3A = arith.constant 0 : i32
      %dma_wait3A_20 = tpu.memref_slice %arg10[%mul3A_2, %dma_wait3A] : memref<10112x128xf32, #tpu.memory_space<vmem_shared>> -> memref<632x128xf32, #tpu.memory_space<vmem_shared>>
      %dma_wait3A_21 = arith.constant 0 : i32
      %dma_wait3A_22 = tpu.memref_slice %arg5[%mul3A_0, %dma_wait3A_21] : memref<10112x128xf32, #tpu.memory_space<hbm>> -> memref<632x128xf32, #tpu.memory_space<hbm>>
      tpu.wait_dma2 semaphore(%run_scoped3A : memref<!tpu.dma_semaphore, #tpu.memory_space<semaphore_mem>>) src(%dma_wait3A_22 : memref<632x128xf32, #tpu.memory_space<hbm>>) dst(%dma_wait3A_20 : memref<632x128xf32, #tpu.memory_space<vmem_shared>>)
      tpu.yield
    }) : () -> ()
    %barrier3A = arith.constant 0 : index
    tpu.barrier barrier_id(%barrier3A)
    %mul3A_3 = arith.constant 16 : i32
    %mul3A_4 = arith.muli %arg0, %mul3A_3 : i32
    %add3A = arith.addi %mul3A_4, %arg1 : i32
    %mul3A_5 = arith.constant 10000 : i32
    %mul3A_6 = arith.muli %add3A, %mul3A_5 : i32
    %scan3A = arith.constant 0 : i32
    %scan3A_7 = arith.constant 0 : i32
    %scan3A_8 = arith.constant 125 : i32
    %scan3A_9 = arith.addi %scan3A_7, %scan3A_8 : i32
    %scan3A_10 = arith.constant 1 : i32
    scf.for %scan3A_17 = %scan3A_7 to %scan3A_9 step %scan3A_10  : i32 {
      %mul3A_18 = arith.constant 80 : i32
      %mul3A_19 = arith.muli %scan3A_17, %mul3A_18 : i32
      %add3A_20 = arith.addi %mul3A_6, %mul3A_19 : i32
      "tpu.region"() ({
        %run_scoped3A = tpu.sem_alloc : memref<!tpu.dma_semaphore, #tpu.memory_space<semaphore_mem>>
        %dma_start3A_25 = tpu.memref_slice %arg3[%add3A_20] : memref<320000xi32, #tpu.memory_space<hbm>> -> memref<80xi32, #tpu.memory_space<hbm>>
        %dma_start3A_26 = tpu.memref_slice %arg3[%add3A_20] : memref<320000xi32, #tpu.memory_space<hbm>> -> memref<80xi32, #tpu.memory_space<hbm>>
        tpu.enqueue_dma source(%dma_start3A_26 : memref<80xi32, #tpu.memory_space<hbm>>) target(%arg7 : memref<80xi32, #tpu.memory_space<vmem>>) target_semaphore(%run_scoped3A : memref<!tpu.dma_semaphore, #tpu.memory_space<semaphore_mem>>)
        %dma_wait3A_27 = tpu.memref_slice %arg3[%add3A_20] : memref<320000xi32, #tpu.memory_space<hbm>> -> memref<80xi32, #tpu.memory_space<hbm>>
        %dma_wait3A_28 = tpu.memref_slice %arg3[%add3A_20] : memref<320000xi32, #tpu.memory_space<hbm>> -> memref<80xi32, #tpu.memory_space<hbm>>
        tpu.wait_dma2 semaphore(%run_scoped3A : memref<!tpu.dma_semaphore, #tpu.memory_space<semaphore_mem>>) src(%dma_wait3A_28 : memref<80xi32, #tpu.memory_space<hbm>>) dst(%arg7 : memref<80xi32, #tpu.memory_space<vmem>>)
        tpu.yield
      }) : () -> ()
      "tpu.region"() ({
        %run_scoped3A = tpu.sem_alloc : memref<!tpu.dma_semaphore, #tpu.memory_space<semaphore_mem>>
        %dma_start3A_25 = tpu.memref_slice %arg4[%add3A_20] : memref<320000xi32, #tpu.memory_space<hbm>> -> memref<80xi32, #tpu.memory_space<hbm>>
        %dma_start3A_26 = tpu.memref_slice %arg4[%add3A_20] : memref<320000xi32, #tpu.memory_space<hbm>> -> memref<80xi32, #tpu.memory_space<hbm>>
        tpu.enqueue_dma source(%dma_start3A_26 : memref<80xi32, #tpu.memory_space<hbm>>) target(%arg8 : memref<80xi32, #tpu.memory_space<vmem>>) target_semaphore(%run_scoped3A : memref<!tpu.dma_semaphore, #tpu.memory_space<semaphore_mem>>)
        %dma_wait3A_27 = tpu.memref_slice %arg4[%add3A_20] : memref<320000xi32, #tpu.memory_space<hbm>> -> memref<80xi32, #tpu.memory_space<hbm>>
        %dma_wait3A_28 = tpu.memref_slice %arg4[%add3A_20] : memref<320000xi32, #tpu.memory_space<hbm>> -> memref<80xi32, #tpu.memory_space<hbm>>
        tpu.wait_dma2 semaphore(%run_scoped3A : memref<!tpu.dma_semaphore, #tpu.memory_space<semaphore_mem>>) src(%dma_wait3A_28 : memref<80xi32, #tpu.memory_space<hbm>>) dst(%arg8 : memref<80xi32, #tpu.memory_space<vmem>>)
        tpu.yield
      }) : () -> ()
      %dma_start3A = arith.constant 0 : i32
      %dma_start3A_21 = arith.constant 0 : i32
      %dma_start3A_22 = tpu.memref_slice %arg2[%dma_start3A, %dma_start3A_21] : memref<10000x128xf32, #tpu.memory_space<hbm>> -> memref<10000x128xf32, #tpu.memory_space<hbm>>
      tpu.enqueue_indirect_dma source(%dma_start3A_22 : memref<10000x128xf32, #tpu.memory_space<hbm>>) target(%arg9 : memref<80x128xf32, #tpu.memory_space<vmem>>) offsets(%arg7 : memref<80xi32, #tpu.memory_space<vmem>>) semaphore(%arg11 : memref<!tpu.dma_semaphore, #tpu.memory_space<semaphore_mem>>)
      %dma_wait3A = arith.constant 0 : i32
      %dma_wait3A_23 = arith.constant 0 : i32
      %dma_wait3A_24 = tpu.memref_slice %arg2[%dma_wait3A, %dma_wait3A_23] : memref<10000x128xf32, #tpu.memory_space<hbm>> -> memref<10000x128xf32, #tpu.memory_space<hbm>>
      tpu.wait_indirect_dma semaphore(%arg11 : memref<!tpu.dma_semaphore, #tpu.memory_space<semaphore_mem>>) src(%dma_wait3A_24 : memref<10000x128xf32, #tpu.memory_space<hbm>>) dst(%arg9 : memref<80x128xf32, #tpu.memory_space<vmem>>)
      "tpu.region"() ({
        %run_scoped3A = tpu.sem_alloc : memref<!tpu.dma_semaphore, #tpu.memory_space<semaphore_mem>>
        %dma_start3A_25 = arith.constant 0 : i32
        %dma_start3A_26 = arith.constant 0 : i32
        %dma_start3A_27 = tpu.memref_slice %arg10[%dma_start3A_25, %dma_start3A_26] : memref<10112x128xf32, #tpu.memory_space<vmem_shared>> -> memref<10112x128xf32, #tpu.memory_space<vmem_shared>>
        tpu.enqueue_indirect_dma source(%arg9 : memref<80x128xf32, #tpu.memory_space<vmem>>) target(%dma_start3A_27 : memref<10112x128xf32, #tpu.memory_space<vmem_shared>>) offsets(%arg8 : memref<80xi32, #tpu.memory_space<vmem>>) semaphore(%run_scoped3A : memref<!tpu.dma_semaphore, #tpu.memory_space<semaphore_mem>>) {add = true}
        %dma_wait3A_28 = arith.constant 0 : i32
        %dma_wait3A_29 = arith.constant 0 : i32
        %dma_wait3A_30 = tpu.memref_slice %arg10[%dma_wait3A_28, %dma_wait3A_29] : memref<10112x128xf32, #tpu.memory_space<vmem_shared>> -> memref<10112x128xf32, #tpu.memory_space<vmem_shared>>
        tpu.wait_indirect_dma semaphore(%run_scoped3A : memref<!tpu.dma_semaphore, #tpu.memory_space<semaphore_mem>>) src(%arg9 : memref<80x128xf32, #tpu.memory_space<vmem>>) dst(%dma_wait3A_30 : memref<10112x128xf32, #tpu.memory_space<vmem_shared>>)
        tpu.yield
      }) : () -> ()
    }
    %scan3A_11 = arith.constant 125 : i32
    %barrier3A_12 = arith.constant 0 : index
    tpu.barrier barrier_id(%barrier3A_12)
    %mul3A_13 = arith.constant 632 : i32
    %mul3A_14 = arith.muli %arg1, %mul3A_13 : i32
    %mul3A_15 = arith.constant 632 : i32
    %mul3A_16 = arith.muli %arg1, %mul3A_15 : i32
    "tpu.region"() ({
      %run_scoped3A = tpu.sem_alloc : memref<!tpu.dma_semaphore, #tpu.memory_space<semaphore_mem>>
      %dma_start3A = arith.constant 0 : i32
      %dma_start3A_17 = tpu.memref_slice %arg6[%arg0, %mul3A_16, %dma_start3A] : memref<2x10112x128xf32, #tpu.memory_space<hbm>> -> memref<1x632x128xf32, #tpu.memory_space<hbm>>
      %dma_start3A_18 = tpu.memref_squeeze %dma_start3A_17 : memref<1x632x128xf32, #tpu.memory_space<hbm>> -> memref<632x128xf32, #tpu.memory_space<hbm>>
      %dma_start3A_19 = arith.constant 0 : i32
      %dma_start3A_20 = tpu.memref_slice %arg10[%mul3A_14, %dma_start3A_19] : memref<10112x128xf32, #tpu.memory_space<vmem_shared>> -> memref<632x128xf32, #tpu.memory_space<vmem_shared>>
      tpu.enqueue_dma source(%dma_start3A_20 : memref<632x128xf32, #tpu.memory_space<vmem_shared>>) target(%dma_start3A_18 : memref<632x128xf32, #tpu.memory_space<hbm>>) target_semaphore(%run_scoped3A : memref<!tpu.dma_semaphore, #tpu.memory_space<semaphore_mem>>)
      %dma_wait3A = arith.constant 0 : i32
      %dma_wait3A_21 = tpu.memref_slice %arg6[%arg0, %mul3A_16, %dma_wait3A] : memref<2x10112x128xf32, #tpu.memory_space<hbm>> -> memref<1x632x128xf32, #tpu.memory_space<hbm>>
      %dma_wait3A_22 = tpu.memref_squeeze %dma_wait3A_21 : memref<1x632x128xf32, #tpu.memory_space<hbm>> -> memref<632x128xf32, #tpu.memory_space<hbm>>
      %dma_wait3A_23 = arith.constant 0 : i32
      %dma_wait3A_24 = tpu.memref_slice %arg10[%mul3A_14, %dma_wait3A_23] : memref<10112x128xf32, #tpu.memory_space<vmem_shared>> -> memref<632x128xf32, #tpu.memory_space<vmem_shared>>
      tpu.wait_dma2 semaphore(%run_scoped3A : memref<!tpu.dma_semaphore, #tpu.memory_space<semaphore_mem>>) src(%dma_wait3A_24 : memref<632x128xf32, #tpu.memory_space<vmem_shared>>) dst(%dma_wait3A_22 : memref<632x128xf32, #tpu.memory_space<hbm>>)
      tpu.yield
    }) : () -> ()
    return
  }
}

#map = affine_map<(d0, d1) -> (0, 0)>
#map1 = affine_map<(d0, d1) -> (0)>
#map2 = affine_map<(d0, d1) -> (0, 0, 0)>
module attributes {stable_mosaic.version = 14 : i64} {
  func.func @_deg_body(%arg0: i32, %arg1: i32, %arg2: memref<80x128xf32, #tpu.memory_space<hbm>>, %arg3: memref<320000xi32, #tpu.memory_space<hbm>>, %arg4: memref<10112x128xf32, #tpu.memory_space<hbm>>, %arg5: memref<2x10112x128xf32, #tpu.memory_space<hbm>>, %arg6: memref<80xi32, #tpu.memory_space<vmem>>, %arg7: memref<80x128xf32, #tpu.memory_space<vmem>>, %arg8: memref<10112x128xf32, #tpu.memory_space<vmem_shared>>, %arg9: memref<!tpu.dma_semaphore, #tpu.memory_space<semaphore_mem>>) attributes {dimension_semantics = [#tpu.dimension_semantics<core_parallel>, #tpu.dimension_semantics<subcore_parallel>], iteration_bounds = array<i64: 2, 16>, scalar_prefetch = 0 : i64, scratch_operands = 4 : i64, tpu.core_type = #tpu.core_type<sc_vector_subcore>, window_params = [{transform_indices = #map}, {transform_indices = #map1}, {transform_indices = #map}, {transform_indices = #map2}]} {
    %mul3A = arith.constant 632 : i32
    %mul3A_0 = arith.muli %arg1, %mul3A : i32
    %mul3A_1 = arith.constant 632 : i32
    %mul3A_2 = arith.muli %arg1, %mul3A_1 : i32
    "tpu.region"() ({
      %run_scoped3A = tpu.sem_alloc : memref<!tpu.dma_semaphore, #tpu.memory_space<semaphore_mem>>
      %dma_start3A = arith.constant 0 : i32
      %dma_start3A_17 = tpu.memref_slice %arg8[%mul3A_2, %dma_start3A] : memref<10112x128xf32, #tpu.memory_space<vmem_shared>> -> memref<632x128xf32, #tpu.memory_space<vmem_shared>>
      %dma_start3A_18 = arith.constant 0 : i32
      %dma_start3A_19 = tpu.memref_slice %arg4[%mul3A_0, %dma_start3A_18] : memref<10112x128xf32, #tpu.memory_space<hbm>> -> memref<632x128xf32, #tpu.memory_space<hbm>>
      tpu.enqueue_dma source(%dma_start3A_19 : memref<632x128xf32, #tpu.memory_space<hbm>>) target(%dma_start3A_17 : memref<632x128xf32, #tpu.memory_space<vmem_shared>>) target_semaphore(%run_scoped3A : memref<!tpu.dma_semaphore, #tpu.memory_space<semaphore_mem>>)
      %dma_wait3A = arith.constant 0 : i32
      %dma_wait3A_20 = tpu.memref_slice %arg8[%mul3A_2, %dma_wait3A] : memref<10112x128xf32, #tpu.memory_space<vmem_shared>> -> memref<632x128xf32, #tpu.memory_space<vmem_shared>>
      %dma_wait3A_21 = arith.constant 0 : i32
      %dma_wait3A_22 = tpu.memref_slice %arg4[%mul3A_0, %dma_wait3A_21] : memref<10112x128xf32, #tpu.memory_space<hbm>> -> memref<632x128xf32, #tpu.memory_space<hbm>>
      tpu.wait_dma2 semaphore(%run_scoped3A : memref<!tpu.dma_semaphore, #tpu.memory_space<semaphore_mem>>) src(%dma_wait3A_22 : memref<632x128xf32, #tpu.memory_space<hbm>>) dst(%dma_wait3A_20 : memref<632x128xf32, #tpu.memory_space<vmem_shared>>)
      tpu.yield
    }) : () -> ()
    "tpu.region"() ({
      %run_scoped3A = tpu.sem_alloc : memref<!tpu.dma_semaphore, #tpu.memory_space<semaphore_mem>>
      tpu.enqueue_dma source(%arg2 : memref<80x128xf32, #tpu.memory_space<hbm>>) target(%arg7 : memref<80x128xf32, #tpu.memory_space<vmem>>) target_semaphore(%run_scoped3A : memref<!tpu.dma_semaphore, #tpu.memory_space<semaphore_mem>>)
      tpu.wait_dma2 semaphore(%run_scoped3A : memref<!tpu.dma_semaphore, #tpu.memory_space<semaphore_mem>>) src(%arg2 : memref<80x128xf32, #tpu.memory_space<hbm>>) dst(%arg7 : memref<80x128xf32, #tpu.memory_space<vmem>>)
      tpu.yield
    }) : () -> ()
    %barrier3A = arith.constant 0 : index
    tpu.barrier barrier_id(%barrier3A)
    %mul3A_3 = arith.constant 16 : i32
    %mul3A_4 = arith.muli %arg0, %mul3A_3 : i32
    %add3A = arith.addi %mul3A_4, %arg1 : i32
    %mul3A_5 = arith.constant 10000 : i32
    %mul3A_6 = arith.muli %add3A, %mul3A_5 : i32
    %scan3A = arith.constant 0 : i32
    %scan3A_7 = arith.constant 0 : i32
    %scan3A_8 = arith.constant 125 : i32
    %scan3A_9 = arith.addi %scan3A_7, %scan3A_8 : i32
    %scan3A_10 = arith.constant 1 : i32
    scf.for %scan3A_17 = %scan3A_7 to %scan3A_9 step %scan3A_10  : i32 {
      %mul3A_18 = arith.constant 80 : i32
      %mul3A_19 = arith.muli %scan3A_17, %mul3A_18 : i32
      %add3A_20 = arith.addi %mul3A_6, %mul3A_19 : i32
      "tpu.region"() ({
        %run_scoped3A = tpu.sem_alloc : memref<!tpu.dma_semaphore, #tpu.memory_space<semaphore_mem>>
        %dma_start3A = tpu.memref_slice %arg3[%add3A_20] : memref<320000xi32, #tpu.memory_space<hbm>> -> memref<80xi32, #tpu.memory_space<hbm>>
        %dma_start3A_21 = tpu.memref_slice %arg3[%add3A_20] : memref<320000xi32, #tpu.memory_space<hbm>> -> memref<80xi32, #tpu.memory_space<hbm>>
        tpu.enqueue_dma source(%dma_start3A_21 : memref<80xi32, #tpu.memory_space<hbm>>) target(%arg6 : memref<80xi32, #tpu.memory_space<vmem>>) target_semaphore(%run_scoped3A : memref<!tpu.dma_semaphore, #tpu.memory_space<semaphore_mem>>)
        %dma_wait3A = tpu.memref_slice %arg3[%add3A_20] : memref<320000xi32, #tpu.memory_space<hbm>> -> memref<80xi32, #tpu.memory_space<hbm>>
        %dma_wait3A_22 = tpu.memref_slice %arg3[%add3A_20] : memref<320000xi32, #tpu.memory_space<hbm>> -> memref<80xi32, #tpu.memory_space<hbm>>
        tpu.wait_dma2 semaphore(%run_scoped3A : memref<!tpu.dma_semaphore, #tpu.memory_space<semaphore_mem>>) src(%dma_wait3A_22 : memref<80xi32, #tpu.memory_space<hbm>>) dst(%arg6 : memref<80xi32, #tpu.memory_space<vmem>>)
        tpu.yield
      }) : () -> ()
      "tpu.region"() ({
        %run_scoped3A = tpu.sem_alloc : memref<!tpu.dma_semaphore, #tpu.memory_space<semaphore_mem>>
        %dma_start3A = arith.constant 0 : i32
        %dma_start3A_21 = arith.constant 0 : i32
        %dma_start3A_22 = tpu.memref_slice %arg8[%dma_start3A, %dma_start3A_21] : memref<10112x128xf32, #tpu.memory_space<vmem_shared>> -> memref<10112x128xf32, #tpu.memory_space<vmem_shared>>
        tpu.enqueue_indirect_dma source(%arg7 : memref<80x128xf32, #tpu.memory_space<vmem>>) target(%dma_start3A_22 : memref<10112x128xf32, #tpu.memory_space<vmem_shared>>) offsets(%arg6 : memref<80xi32, #tpu.memory_space<vmem>>) semaphore(%run_scoped3A : memref<!tpu.dma_semaphore, #tpu.memory_space<semaphore_mem>>) {add = true}
        %dma_wait3A = arith.constant 0 : i32
        %dma_wait3A_23 = arith.constant 0 : i32
        %dma_wait3A_24 = tpu.memref_slice %arg8[%dma_wait3A, %dma_wait3A_23] : memref<10112x128xf32, #tpu.memory_space<vmem_shared>> -> memref<10112x128xf32, #tpu.memory_space<vmem_shared>>
        tpu.wait_indirect_dma semaphore(%run_scoped3A : memref<!tpu.dma_semaphore, #tpu.memory_space<semaphore_mem>>) src(%arg7 : memref<80x128xf32, #tpu.memory_space<vmem>>) dst(%dma_wait3A_24 : memref<10112x128xf32, #tpu.memory_space<vmem_shared>>)
        tpu.yield
      }) : () -> ()
    }
    %scan3A_11 = arith.constant 125 : i32
    %barrier3A_12 = arith.constant 0 : index
    tpu.barrier barrier_id(%barrier3A_12)
    %mul3A_13 = arith.constant 632 : i32
    %mul3A_14 = arith.muli %arg1, %mul3A_13 : i32
    %mul3A_15 = arith.constant 632 : i32
    %mul3A_16 = arith.muli %arg1, %mul3A_15 : i32
    "tpu.region"() ({
      %run_scoped3A = tpu.sem_alloc : memref<!tpu.dma_semaphore, #tpu.memory_space<semaphore_mem>>
      %dma_start3A = arith.constant 0 : i32
      %dma_start3A_17 = tpu.memref_slice %arg5[%arg0, %mul3A_16, %dma_start3A] : memref<2x10112x128xf32, #tpu.memory_space<hbm>> -> memref<1x632x128xf32, #tpu.memory_space<hbm>>
      %dma_start3A_18 = tpu.memref_squeeze %dma_start3A_17 : memref<1x632x128xf32, #tpu.memory_space<hbm>> -> memref<632x128xf32, #tpu.memory_space<hbm>>
      %dma_start3A_19 = arith.constant 0 : i32
      %dma_start3A_20 = tpu.memref_slice %arg8[%mul3A_14, %dma_start3A_19] : memref<10112x128xf32, #tpu.memory_space<vmem_shared>> -> memref<632x128xf32, #tpu.memory_space<vmem_shared>>
      tpu.enqueue_dma source(%dma_start3A_20 : memref<632x128xf32, #tpu.memory_space<vmem_shared>>) target(%dma_start3A_18 : memref<632x128xf32, #tpu.memory_space<hbm>>) target_semaphore(%run_scoped3A : memref<!tpu.dma_semaphore, #tpu.memory_space<semaphore_mem>>)
      %dma_wait3A = arith.constant 0 : i32
      %dma_wait3A_21 = tpu.memref_slice %arg5[%arg0, %mul3A_16, %dma_wait3A] : memref<2x10112x128xf32, #tpu.memory_space<hbm>> -> memref<1x632x128xf32, #tpu.memory_space<hbm>>
      %dma_wait3A_22 = tpu.memref_squeeze %dma_wait3A_21 : memref<1x632x128xf32, #tpu.memory_space<hbm>> -> memref<632x128xf32, #tpu.memory_space<hbm>>
      %dma_wait3A_23 = arith.constant 0 : i32
      %dma_wait3A_24 = tpu.memref_slice %arg8[%mul3A_14, %dma_wait3A_23] : memref<10112x128xf32, #tpu.memory_space<vmem_shared>> -> memref<632x128xf32, #tpu.memory_space<vmem_shared>>
      tpu.wait_dma2 semaphore(%run_scoped3A : memref<!tpu.dma_semaphore, #tpu.memory_space<semaphore_mem>>) src(%dma_wait3A_24 : memref<632x128xf32, #tpu.memory_space<vmem_shared>>) dst(%dma_wait3A_22 : memref<632x128xf32, #tpu.memory_space<hbm>>)
      tpu.yield
    }) : () -> ()
    return
  }
}

module attributes {stable_mosaic.version = 14 : i64} {
  func.func @_tc1_body(%arg0: i32, %arg1: memref<400x128xf32, #tpu.memory_space<vmem>>, %arg2: memref<128x128xf32, #tpu.memory_space<vmem>>, %arg3: memref<2x400x128xf32, #tpu.memory_space<vmem>>, %arg4: memref<400x128xf32, #tpu.memory_space<vmem>>) attributes {dimension_semantics = [#tpu.dimension_semantics<arbitrary>], iteration_bounds = array<i64: 25>, scalar_prefetch = 0 : i64, scratch_operands = 0 : i64, tpu.core_type = #tpu.core_type<tc>, window_params = [{transform_indices = @transform_0, window_bounds = array<i64: 400, 128>}, {pipeline_mode = #tpu.pipeline_mode<synchronous>, transform_indices = @transform_1, window_bounds = array<i64: 128, 128>}, {transform_indices = @transform_2, window_bounds = array<i64: 2, 400, 128>}, {transform_indices = @transform_3, window_bounds = array<i64: 400, 128>}]} {
    %get3A = arith.constant 0 : index
    %get3A_0 = arith.constant 0 : index
    %get3A_1 = arith.constant 0 : index
    %get3A_2 = vector.load %arg3[%get3A, %get3A_0, %get3A_1] : memref<2x400x128xf32, #tpu.memory_space<vmem>>, vector<2x400x128xf32>
    %slice3A = vector.extract_strided_slice %get3A_2 {offsets = [0, 0, 0], sizes = [1, 400, 128], strides = [1, 1, 1]} : vector<2x400x128xf32> to vector<1x400x128xf32>
    %squeeze3A = vector.shape_cast %slice3A : vector<1x400x128xf32> to vector<400x128xf32>
    %slice3A_3 = vector.extract_strided_slice %get3A_2 {offsets = [1, 0, 0], sizes = [1, 400, 128], strides = [1, 1, 1]} : vector<2x400x128xf32> to vector<1x400x128xf32>
    %squeeze3A_4 = vector.shape_cast %slice3A_3 : vector<1x400x128xf32> to vector<400x128xf32>
    %add3A = arith.addf %squeeze3A, %squeeze3A_4 : vector<400x128xf32>
    %reduce_sum3A = arith.constant dense<0.000000e+00> : vector<400xf32>
    %reduce_sum3A_5 = vector.multi_reduction <add>, %add3A, %reduce_sum3A [1] : vector<400x128xf32> to vector<400xf32>
    %mul3A = arith.constant 7.812500e-03 : f32
    %mul3A_6 = vector.broadcast %mul3A : f32 to vector<400xf32>
    %mul3A_7 = arith.mulf %reduce_sum3A_5, %mul3A_6 : vector<400xf32>
    %add3A_8 = arith.constant 1.000000e+00 : f32
    %add3A_9 = vector.broadcast %add3A_8 : f32 to vector<400xf32>
    %add3A_10 = arith.addf %mul3A_7, %add3A_9 : vector<400xf32>
    %rsqrt3A = math.rsqrt %add3A_10 : vector<400xf32>
    %get3A_11 = arith.constant 0 : index
    %get3A_12 = arith.constant 0 : index
    %get3A_13 = vector.load %arg1[%get3A_11, %get3A_12] : memref<400x128xf32, #tpu.memory_space<vmem>>, vector<400x128xf32>
    %get3A_14 = arith.constant 0 : index
    %get3A_15 = arith.constant 0 : index
    %get3A_16 = vector.load %arg2[%get3A_14, %get3A_15] : memref<128x128xf32, #tpu.memory_space<vmem>>, vector<128x128xf32>
    %dot_general3A = arith.constant dense<0.000000e+00> : vector<400x128xf32>
    %dot_general3A_17 = tpu.matmul %get3A_13, %get3A_16, %dot_general3A {dimension_numbers = #tpu.dot_dimension_numbers<[1], [1], [0], [0], [0, 0, 1, 0], [], []>, transpose_lhs_hint = false} : vector<400x128xf32>, vector<128x128xf32>, vector<400x128xf32> -> vector<400x128xf32>
    %broadcast_in_dim3A = vector.shape_cast %rsqrt3A : vector<400xf32> to vector<400x1xf32>
    %mul3A_18 = vector.broadcast %broadcast_in_dim3A : vector<400x1xf32> to vector<400x128xf32>
    %mul3A_19 = arith.mulf %dot_general3A_17, %mul3A_18 : vector<400x128xf32>
    %swap3A = arith.constant 0 : index
    %swap3A_20 = arith.constant 0 : index
    %swap3A_21 = vector.load %arg4[%swap3A, %swap3A_20] : memref<400x128xf32, #tpu.memory_space<vmem>>, vector<400x128xf32>
    tpu.vector_store %arg4[%swap3A, %swap3A_20], %mul3A_19 {strides = array<i32>} : memref<400x128xf32, #tpu.memory_space<vmem>>, vector<400x128xf32>,
    return
  }
  func.func @transform_0(%arg0: i32) -> (i32, i32) {
    %c0_i32 = arith.constant 0 : i32
    %c0_i32_0 = arith.constant 0 : i32
    return %arg0, %c0_i32 : i32, i32
  }
  func.func @transform_1(%arg0: i32) -> (i32, i32) {
    %c0_i32 = arith.constant 0 : i32
    %c0_i32_0 = arith.constant 0 : i32
    %c0_i32_1 = arith.constant 0 : i32
    return %c0_i32, %c0_i32_0 : i32, i32
  }
  func.func @transform_2(%arg0: i32) -> (i32, i32, i32) {
    %c0_i32 = arith.constant 0 : i32
    %c0_i32_0 = arith.constant 0 : i32
    %c0_i32_1 = arith.constant 0 : i32
    return %c0_i32, %arg0, %c0_i32_0 : i32, i32, i32
  }
  func.func @transform_3(%arg0: i32) -> (i32, i32) {
    %c0_i32 = arith.constant 0 : i32
    %c0_i32_0 = arith.constant 0 : i32
    return %arg0, %c0_i32 : i32, i32
  }
}

module attributes {stable_mosaic.version = 14 : i64} {
  func.func @_tc2_body(%arg0: i32, %arg1: memref<2x400x128xf32, #tpu.memory_space<vmem>>, %arg2: memref<400x128xf32, #tpu.memory_space<vmem>>, %arg3: memref<2x400x128xf32, #tpu.memory_space<vmem>>, %arg4: memref<1x128xf32, #tpu.memory_space<vmem>>, %arg5: memref<128x128xf32, #tpu.memory_space<vmem>>, %arg6: memref<400x128xf32, #tpu.memory_space<vmem>>) attributes {dimension_semantics = [#tpu.dimension_semantics<arbitrary>], iteration_bounds = array<i64: 25>, scalar_prefetch = 0 : i64, scratch_operands = 0 : i64, tpu.core_type = #tpu.core_type<tc>, window_params = [{transform_indices = @transform_0, window_bounds = array<i64: 2, 400, 128>}, {transform_indices = @transform_1, window_bounds = array<i64: 400, 128>}, {transform_indices = @transform_2, window_bounds = array<i64: 2, 400, 128>}, {pipeline_mode = #tpu.pipeline_mode<synchronous>, transform_indices = @transform_3, window_bounds = array<i64: 1, 128>}, {pipeline_mode = #tpu.pipeline_mode<synchronous>, transform_indices = @transform_4, window_bounds = array<i64: 128, 128>}, {transform_indices = @transform_5, window_bounds = array<i64: 400, 128>}]} {
    %get3A = arith.constant 0 : index
    %get3A_0 = arith.constant 0 : index
    %get3A_1 = arith.constant 0 : index
    %get3A_2 = vector.load %arg3[%get3A, %get3A_0, %get3A_1] : memref<2x400x128xf32, #tpu.memory_space<vmem>>, vector<2x400x128xf32>
    %slice3A = vector.extract_strided_slice %get3A_2 {offsets = [0, 0, 0], sizes = [1, 400, 128], strides = [1, 1, 1]} : vector<2x400x128xf32> to vector<1x400x128xf32>
    %squeeze3A = vector.shape_cast %slice3A : vector<1x400x128xf32> to vector<400x128xf32>
    %slice3A_3 = vector.extract_strided_slice %get3A_2 {offsets = [1, 0, 0], sizes = [1, 400, 128], strides = [1, 1, 1]} : vector<2x400x128xf32> to vector<1x400x128xf32>
    %squeeze3A_4 = vector.shape_cast %slice3A_3 : vector<1x400x128xf32> to vector<400x128xf32>
    %add3A = arith.addf %squeeze3A, %squeeze3A_4 : vector<400x128xf32>
    %reduce_sum3A = arith.constant dense<0.000000e+00> : vector<400xf32>
    %reduce_sum3A_5 = vector.multi_reduction <add>, %add3A, %reduce_sum3A [1] : vector<400x128xf32> to vector<400xf32>
    %mul3A = arith.constant 7.812500e-03 : f32
    %mul3A_6 = vector.broadcast %mul3A : f32 to vector<400xf32>
    %mul3A_7 = arith.mulf %reduce_sum3A_5, %mul3A_6 : vector<400xf32>
    %add3A_8 = arith.constant 1.000000e+00 : f32
    %add3A_9 = vector.broadcast %add3A_8 : f32 to vector<400xf32>
    %add3A_10 = arith.addf %mul3A_7, %add3A_9 : vector<400xf32>
    %rsqrt3A = math.rsqrt %add3A_10 : vector<400xf32>
    %get3A_11 = arith.constant 0 : index
    %get3A_12 = arith.constant 0 : index
    %get3A_13 = arith.constant 0 : index
    %get3A_14 = vector.load %arg1[%get3A_11, %get3A_12, %get3A_13] : memref<2x400x128xf32, #tpu.memory_space<vmem>>, vector<1x400x128xf32>
    %get3A_15 = vector.shape_cast %get3A_14 : vector<1x400x128xf32> to vector<400x128xf32>
    %get3A_16 = arith.constant 1 : index
    %get3A_17 = arith.constant 0 : index
    %get3A_18 = arith.constant 0 : index
    %get3A_19 = vector.load %arg1[%get3A_16, %get3A_17, %get3A_18] : memref<2x400x128xf32, #tpu.memory_space<vmem>>, vector<1x400x128xf32>
    %get3A_20 = vector.shape_cast %get3A_19 : vector<1x400x128xf32> to vector<400x128xf32>
    %add3A_21 = arith.addf %get3A_15, %get3A_20 : vector<400x128xf32>
    %get3A_22 = arith.constant 0 : index
    %get3A_23 = arith.constant 0 : index
    %get3A_24 = vector.load %arg2[%get3A_22, %get3A_23] : memref<400x128xf32, #tpu.memory_space<vmem>>, vector<400x128xf32>
    %add3A_25 = arith.addf %add3A_21, %get3A_24 : vector<400x128xf32>
    %broadcast_in_dim3A = vector.shape_cast %rsqrt3A : vector<400xf32> to vector<400x1xf32>
    %mul3A_26 = vector.broadcast %broadcast_in_dim3A : vector<400x1xf32> to vector<400x128xf32>
    %mul3A_27 = arith.mulf %add3A_25, %mul3A_26 : vector<400x128xf32>
    %get3A_28 = arith.constant 0 : index
    %get3A_29 = arith.constant 0 : index
    %get3A_30 = vector.load %arg4[%get3A_28, %get3A_29] : memref<1x128xf32, #tpu.memory_space<vmem>>, vector<1x128xf32>
    %add3A_31 = vector.broadcast %get3A_30 : vector<1x128xf32> to vector<400x128xf32>
    %add3A_32 = arith.addf %mul3A_27, %add3A_31 : vector<400x128xf32>
    %max3A = arith.constant 0.000000e+00 : f32
    %max3A_33 = vector.broadcast %max3A : f32 to vector<400x128xf32>
    %max3A_34 = arith.maximumf %add3A_32, %max3A_33 : vector<400x128xf32>
    %get3A_35 = arith.constant 0 : index
    %get3A_36 = arith.constant 0 : index
    %get3A_37 = vector.load %arg5[%get3A_35, %get3A_36] : memref<128x128xf32, #tpu.memory_space<vmem>>, vector<128x128xf32>
    %dot_general3A = arith.constant dense<0.000000e+00> : vector<400x128xf32>
    %dot_general3A_38 = tpu.matmul %max3A_34, %get3A_37, %dot_general3A {dimension_numbers = #tpu.dot_dimension_numbers<[1], [1], [0], [0], [0, 0, 1, 0], [], []>, transpose_lhs_hint = false} : vector<400x128xf32>, vector<128x128xf32>, vector<400x128xf32> -> vector<400x128xf32>
    %broadcast_in_dim3A_39 = vector.shape_cast %rsqrt3A : vector<400xf32> to vector<400x1xf32>
    %mul3A_40 = vector.broadcast %broadcast_in_dim3A_39 : vector<400x1xf32> to vector<400x128xf32>
    %mul3A_41 = arith.mulf %dot_general3A_38, %mul3A_40 : vector<400x128xf32>
    %swap3A = arith.constant 0 : index
    %swap3A_42 = arith.constant 0 : index
    %swap3A_43 = vector.load %arg6[%swap3A, %swap3A_42] : memref<400x128xf32, #tpu.memory_space<vmem>>, vector<400x128xf32>
    tpu.vector_store %arg6[%swap3A, %swap3A_42], %mul3A_41 {strides = array<i32>} : memref<400x128xf32, #tpu.memory_space<vmem>>, vector<400x128xf32>,
    return
  }
  func.func @transform_0(%arg0: i32) -> (i32, i32, i32) {
    %c0_i32 = arith.constant 0 : i32
    %c0_i32_0 = arith.constant 0 : i32
    %c0_i32_1 = arith.constant 0 : i32
    return %c0_i32, %arg0, %c0_i32_0 : i32, i32, i32
  }
  func.func @transform_1(%arg0: i32) -> (i32, i32) {
    %c0_i32 = arith.constant 0 : i32
    %c0_i32_0 = arith.constant 0 : i32
    return %arg0, %c0_i32 : i32, i32
  }
  func.func @transform_2(%arg0: i32) -> (i32, i32, i32) {
    %c0_i32 = arith.constant 0 : i32
    %c0_i32_0 = arith.constant 0 : i32
    %c0_i32_1 = arith.constant 0 : i32
    return %c0_i32, %arg0, %c0_i32_0 : i32, i32, i32
  }
  func.func @transform_3(%arg0: i32) -> (i32, i32) {
    %c0_i32 = arith.constant 0 : i32
    %c0_i32_0 = arith.constant 0 : i32
    %c0_i32_1 = arith.constant 0 : i32
    return %c0_i32, %c0_i32_0 : i32, i32
  }
  func.func @transform_4(%arg0: i32) -> (i32, i32) {
    %c0_i32 = arith.constant 0 : i32
    %c0_i32_0 = arith.constant 0 : i32
    %c0_i32_1 = arith.constant 0 : i32
    return %c0_i32, %c0_i32_0 : i32, i32
  }
  func.func @transform_5(%arg0: i32) -> (i32, i32) {
    %c0_i32 = arith.constant 0 : i32
    %c0_i32_0 = arith.constant 0 : i32
    return %arg0, %c0_i32 : i32, i32
  }
}

module attributes {stable_mosaic.version = 14 : i64} {
  func.func @_tc3_body(%arg0: i32, %arg1: memref<2x400x128xf32, #tpu.memory_space<vmem>>, %arg2: memref<400x128xf32, #tpu.memory_space<vmem>>, %arg3: memref<2x400x128xf32, #tpu.memory_space<vmem>>, %arg4: memref<1x128xf32, #tpu.memory_space<vmem>>, %arg5: memref<400x128xf32, #tpu.memory_space<vmem>>) attributes {dimension_semantics = [#tpu.dimension_semantics<arbitrary>], iteration_bounds = array<i64: 25>, scalar_prefetch = 0 : i64, scratch_operands = 0 : i64, tpu.core_type = #tpu.core_type<tc>, window_params = [{transform_indices = @transform_0, window_bounds = array<i64: 2, 400, 128>}, {transform_indices = @transform_1, window_bounds = array<i64: 400, 128>}, {transform_indices = @transform_2, window_bounds = array<i64: 2, 400, 128>}, {pipeline_mode = #tpu.pipeline_mode<synchronous>, transform_indices = @transform_3, window_bounds = array<i64: 1, 128>}, {transform_indices = @transform_4, window_bounds = array<i64: 400, 128>}]} {
    %get3A = arith.constant 0 : index
    %get3A_0 = arith.constant 0 : index
    %get3A_1 = arith.constant 0 : index
    %get3A_2 = vector.load %arg3[%get3A, %get3A_0, %get3A_1] : memref<2x400x128xf32, #tpu.memory_space<vmem>>, vector<2x400x128xf32>
    %slice3A = vector.extract_strided_slice %get3A_2 {offsets = [0, 0, 0], sizes = [1, 400, 128], strides = [1, 1, 1]} : vector<2x400x128xf32> to vector<1x400x128xf32>
    %squeeze3A = vector.shape_cast %slice3A : vector<1x400x128xf32> to vector<400x128xf32>
    %slice3A_3 = vector.extract_strided_slice %get3A_2 {offsets = [1, 0, 0], sizes = [1, 400, 128], strides = [1, 1, 1]} : vector<2x400x128xf32> to vector<1x400x128xf32>
    %squeeze3A_4 = vector.shape_cast %slice3A_3 : vector<1x400x128xf32> to vector<400x128xf32>
    %add3A = arith.addf %squeeze3A, %squeeze3A_4 : vector<400x128xf32>
    %reduce_sum3A = arith.constant dense<0.000000e+00> : vector<400xf32>
    %reduce_sum3A_5 = vector.multi_reduction <add>, %add3A, %reduce_sum3A [1] : vector<400x128xf32> to vector<400xf32>
    %mul3A = arith.constant 7.812500e-03 : f32
    %mul3A_6 = vector.broadcast %mul3A : f32 to vector<400xf32>
    %mul3A_7 = arith.mulf %reduce_sum3A_5, %mul3A_6 : vector<400xf32>
    %add3A_8 = arith.constant 1.000000e+00 : f32
    %add3A_9 = vector.broadcast %add3A_8 : f32 to vector<400xf32>
    %add3A_10 = arith.addf %mul3A_7, %add3A_9 : vector<400xf32>
    %rsqrt3A = math.rsqrt %add3A_10 : vector<400xf32>
    %get3A_11 = arith.constant 0 : index
    %get3A_12 = arith.constant 0 : index
    %get3A_13 = arith.constant 0 : index
    %get3A_14 = vector.load %arg1[%get3A_11, %get3A_12, %get3A_13] : memref<2x400x128xf32, #tpu.memory_space<vmem>>, vector<1x400x128xf32>
    %get3A_15 = vector.shape_cast %get3A_14 : vector<1x400x128xf32> to vector<400x128xf32>
    %get3A_16 = arith.constant 1 : index
    %get3A_17 = arith.constant 0 : index
    %get3A_18 = arith.constant 0 : index
    %get3A_19 = vector.load %arg1[%get3A_16, %get3A_17, %get3A_18] : memref<2x400x128xf32, #tpu.memory_space<vmem>>, vector<1x400x128xf32>
    %get3A_20 = vector.shape_cast %get3A_19 : vector<1x400x128xf32> to vector<400x128xf32>
    %add3A_21 = arith.addf %get3A_15, %get3A_20 : vector<400x128xf32>
    %get3A_22 = arith.constant 0 : index
    %get3A_23 = arith.constant 0 : index
    %get3A_24 = vector.load %arg2[%get3A_22, %get3A_23] : memref<400x128xf32, #tpu.memory_space<vmem>>, vector<400x128xf32>
    %add3A_25 = arith.addf %add3A_21, %get3A_24 : vector<400x128xf32>
    %broadcast_in_dim3A = vector.shape_cast %rsqrt3A : vector<400xf32> to vector<400x1xf32>
    %mul3A_26 = vector.broadcast %broadcast_in_dim3A : vector<400x1xf32> to vector<400x128xf32>
    %mul3A_27 = arith.mulf %add3A_25, %mul3A_26 : vector<400x128xf32>
    %get3A_28 = arith.constant 0 : index
    %get3A_29 = arith.constant 0 : index
    %get3A_30 = vector.load %arg4[%get3A_28, %get3A_29] : memref<1x128xf32, #tpu.memory_space<vmem>>, vector<1x128xf32>
    %add3A_31 = vector.broadcast %get3A_30 : vector<1x128xf32> to vector<400x128xf32>
    %add3A_32 = arith.addf %mul3A_27, %add3A_31 : vector<400x128xf32>
    %reduce_max3A = arith.constant dense<0xFF800000> : vector<400xf32>
    %reduce_max3A_33 = vector.multi_reduction <maximumf>, %add3A_32, %reduce_max3A [1] : vector<400x128xf32> to vector<400xf32>
    %broadcast_in_dim3A_34 = vector.shape_cast %reduce_max3A_33 : vector<400xf32> to vector<400x1xf32>
    %sub3A = vector.broadcast %broadcast_in_dim3A_34 : vector<400x1xf32> to vector<400x128xf32>
    %sub3A_35 = arith.subf %add3A_32, %sub3A : vector<400x128xf32>
    %exp3A = math.exp %sub3A_35 : vector<400x128xf32>
    %reduce_sum3A_36 = arith.constant dense<0.000000e+00> : vector<400xf32>
    %reduce_sum3A_37 = vector.multi_reduction <add>, %exp3A, %reduce_sum3A_36 [1] : vector<400x128xf32> to vector<400xf32>
    %broadcast_in_dim3A_38 = vector.shape_cast %reduce_sum3A_37 : vector<400xf32> to vector<400x1xf32>
    %log3A = math.log %broadcast_in_dim3A_38 : vector<400x1xf32>
    %add3A_39 = arith.addf %log3A, %broadcast_in_dim3A_34 : vector<400x1xf32>
    %sub3A_40 = vector.broadcast %add3A_39 : vector<400x1xf32> to vector<400x128xf32>
    %sub3A_41 = arith.subf %add3A_32, %sub3A_40 : vector<400x128xf32>
    %swap3A = arith.constant 0 : index
    %swap3A_42 = arith.constant 0 : index
    %swap3A_43 = vector.load %arg5[%swap3A, %swap3A_42] : memref<400x128xf32, #tpu.memory_space<vmem>>, vector<400x128xf32>
    tpu.vector_store %arg5[%swap3A, %swap3A_42], %sub3A_41 {strides = array<i32>} : memref<400x128xf32, #tpu.memory_space<vmem>>, vector<400x128xf32>,
    return
  }
  func.func @transform_0(%arg0: i32) -> (i32, i32, i32) {
    %c0_i32 = arith.constant 0 : i32
    %c0_i32_0 = arith.constant 0 : i32
    %c0_i32_1 = arith.constant 0 : i32
    return %c0_i32, %arg0, %c0_i32_0 : i32, i32, i32
  }
  func.func @transform_1(%arg0: i32) -> (i32, i32) {
    %c0_i32 = arith.constant 0 : i32
    %c0_i32_0 = arith.constant 0 : i32
    return %arg0, %c0_i32 : i32, i32
  }
  func.func @transform_2(%arg0: i32) -> (i32, i32, i32) {
    %c0_i32 = arith.constant 0 : i32
    %c0_i32_0 = arith.constant 0 : i32
    %c0_i32_1 = arith.constant 0 : i32
    return %c0_i32, %arg0, %c0_i32_0 : i32, i32, i32
  }
  func.func @transform_3(%arg0: i32) -> (i32, i32) {
    %c0_i32 = arith.constant 0 : i32
    %c0_i32_0 = arith.constant 0 : i32
    %c0_i32_1 = arith.constant 0 : i32
    return %c0_i32, %c0_i32_0 : i32, i32
  }
  func.func @transform_4(%arg0: i32) -> (i32, i32) {
    %c0_i32 = arith.constant 0 : i32
    %c0_i32_0 = arith.constant 0 : i32
    return %arg0, %c0_i32 : i32, i32
  }
}

</mosaic_0001>

<sc_bundles>
// kernel: kernel.11.cloned.1.call-start
scs
__scs_entry_jumppad:
0x0: {  	(pc) =	sbr.rel $0x88, $3  }
0x1: {  	(tag) =	ssettag $0x0;
	lr =	simm.s32 $0x1  }
0x2: {  	[smem:$0x3F9B] =	sst lr;
	_ =	strace $0xD0000000  }
0x3: {  	_ = 	snop  }
0x4: {  	_ = 	snop  }
0x5: {  	_ = 	snop  }
0x6: {  	_ = 	snop  }
0x7: {  	_ = 	snop  }
__scs_overlays_trampoline_lowered:
0x8: {  	[smem:$0x3FAA] =	sst s0  }
0x9: {  	[smem:$0x3FAB] =	sst s1  }
0xa: {  	[smem:$0x3FAC] =	sst s2  }
0xb: {  	[smem:$0x3FAD] =	sst s3  }
0xc: {  	[smem:$0x3FAE] =	sst s4  }
0xd: {  	[smem:$0x3FAF] =	sst s5  }
0xe: {  	[smem:$0x3FB0] =	sst s6  }
0xf: {  	[smem:$0x3FB1] =	sst s7  }
0x10: {  	[smem:$0x3FB2] =	sst s8  }
0x11: {  	[smem:$0x3FB3] =	sst s9;
	s0 =	simm.s32 @!p0 $0x0  }
0x12: {  	s1 =	sld [smem:$0x3F99];
	s0 =	simm.s32 @p0 $0x1  }
0x13: {  	[smem:$0x3FB4] =	sst s0;
	s0 =	simm.s32 @!p1 $0x0  }
0x14: {  	s2 =	sld [smem:$0x3F98];
	s0 =	simm.s32 @p1 $0x1  }
0x15: {  	[smem:$0x3FB5] =	sst s0;
	s0 =	simm.s32 @!p2 $0x0  }
0x16: {  	s3 =	sld [smem:$0x3FDB];
	s0 =	simm.s32 @p2 $0x1  }
0x17: {  	s4 =	simm.s32 $0x1BF5;
	[smem:$0x3FB7] =	sst s0  }
0x18: {  	s0 =	sld [smem:$0x3F9A];
	_ =	swait.ge [sflag:s4], $0x0  }
0x19: {  	s7 =	sld [smem:$0x3F9B]  }
0x1a: {  	s8 =	sadd.s32 $0xFFFFE003, lr  }
0x1b: {  	s9 =	sadd.s32 $0xFFFFFEF7, lr;
	s5 =	simm.s32 $0xFFFFFFFF;
	p2 =	slt.u32 s8, $0xFFFFF086  }
0x1c: {  	p1 =	slt.u32 s9, $0xF7A;
	s5 =	simm.s32 @!p2 $0x0  }
0x1d: {  	s5 =	simm.s32 @p1 $0x1;
	p0 =	seq.s32 s7, s2  }
0x1e: {  	s7 =	smul.u32 @!p0 $0xF7A, s2;
	p2 =	seq.s32 @!p0 s5, $0x0  }
0x1f: {  	s9 =	smul.u32 $0xF7A, s1;
	s8 =	simm.s32 @!p0 $0x1BF5;
	p2 =	por !p2, p0  }
0x20: {  	[sflag:s8] =	ssyncset.s32 @!p0 $0xFFFFF086;
	s6 =	sadd.s32 @!p0 s3, s7;
	s7 =	simm.s32 @!p0 $0x108  }
0x21: {  	s3 =	sadd.s32 s3, s9;
	s6 =	sadd.s32 @!p0 $0x88, s6;
	s7 =	simm.s32 @p2 $0x1082  }
0x22: {  	[simem:s7], [sflag:s8] =	dma.local @!p0 [hbm:s6], $0xF7A  }
0x23: {  	s9 =	sor.u32 $0xD0000000, s2;
	s6 =	simm.s32 $0x108;
	_ =	swait.ge @!p0 [sflag:s8], $0x0  }
0x24: {  	s3 =	sadd.s32 $0x88, s3;
	s6 =	simm.s32 @!p1 $0x1082;
	[sflag:s4] =	ssyncset.s32 $0xFFFFF086  }
0x25: {  	[simem:s6], [sflag:s4] =	dma.local [hbm:s3], $0xF7A  }
0x26: {  	[smem:$0x3F9B] =	sst s1;
	(tag) =	ssettag s2;
	_ =	strace s9  }
0x27: {  	s1 =	sld [smem:$0x3FAB]  }
0x28: {  	s2 =	sld [smem:$0x3FAC]  }
0x29: {  	s4 =	sld [smem:$0x3FAE]  }
0x2a: {  	p0 =	seq.s32 s5, $0x0;
	s5 =	sld [smem:$0x3FAF]  }
0x2b: {  	s6 =	sld [smem:$0x3FB0]  }
0x2c: {  	s7 =	sld [smem:$0x3FB1]  }
0x2d: {  	s3 =	simm.s32 $0x108;
	s8 =	sld [smem:$0x3FB2]  }
0x2e: {  	s3 =	simm.s32 @!p0 $0x1082;
	s9 =	sld [smem:$0x3FB3]  }
0x2f: {  	lr =	sadd.s32 s0, s3;
	s0 =	sld [smem:$0x3FAA]  }
0x30: {  	s3 =	sld [smem:$0x3FAD]  }
0x31: {  	[smem:$0x3FB6] =	sst s10  }
0x32: {  	s10 =	sld [smem:$0x3FB4];
	_ =	sdelay $0x3  }
0x33: {  	p0 =	seq.s32 s10, $0x1;
	s10 =	sld [smem:$0x3FB6];
	_ =	sdelay $0x3  }
0x34: {  	[smem:$0x3FB6] =	sst s10  }
0x35: {  	s10 =	sld [smem:$0x3FB5];
	_ =	sdelay $0x3  }
0x36: {  	p1 =	seq.s32 s10, $0x1;
	s10 =	sld [smem:$0x3FB6];
	_ =	sdelay $0x3  }
0x37: {  	[smem:$0x3FB6] =	sst s10  }
0x38: {  	s10 =	sld [smem:$0x3FB7]  }
0x39: {  	_ = 	snop;
	(pc) =	sbr.ind lr, $3  }
0x3a: {  	_ = 	snop  }
0x3b: {  	_ = 	snop  }
0x3c: {  	p2 =	seq.s32 s10, $0x1;
	s10 =	sld [smem:$0x3FB6]  }
0x3d: {  	_ =	shalt  }
0x3e: {  	_ =	shalt  }
0x3f: {  	_ =	shalt  }
0x40: {  	_ =	shalt  }
0x41: {  	_ =	shalt  }
0x42: {  	_ =	shalt  }
0x43: {  	_ =	shalt  }
0x44: {  	_ =	shalt  }
0x45: {  	_ =	shalt  }
0x46: {  	_ =	shalt  }
0x47: {  	_ =	shalt  }
0x48: {  	_ =	shalt  }
0x49: {  	_ =	shalt  }
0x4a: {  	_ =	shalt  }
0x4b: {  	_ =	shalt  }
0x4c: {  	_ =	shalt  }
0x4d: {  	_ =	shalt  }
0x4e: {  	_ =	shalt  }
0x4f: {  	_ =	shalt  }
0x50: {  	_ =	shalt  }
0x51: {  	_ =	shalt  }
0x52: {  	_ =	shalt  }
0x53: {  	_ =	shalt  }
0x54: {  	_ =	shalt  }
0x55: {  	_ =	shalt  }
0x56: {  	_ =	shalt  }
0x57: {  	_ =	shalt  }
0x58: {  	_ =	shalt  }
0x59: {  	_ =	shalt  }
0x5a: {  	_ =	shalt  }
0x5b: {  	_ =	shalt  }
0x5c: {  	_ =	shalt  }
0x5d: {  	_ =	shalt  }
0x5e: {  	_ =	shalt  }
0x5f: {  	_ =	shalt  }
0x60: {  	_ =	shalt  }
0x61: {  	_ =	shalt  }
0x62: {  	_ =	shalt  }
0x63: {  	_ =	shalt  }
0x64: {  	_ =	shalt  }
0x65: {  	_ =	shalt  }
0x66: {  	_ =	shalt  }
0x67: {  	_ =	shalt  }
0x68: {  	_ =	shalt  }
0x69: {  	_ =	shalt  }
0x6a: {  	_ =	shalt  }
0x6b: {  	_ =	shalt  }
0x6c: {  	_ =	shalt  }
0x6d: {  	_ =	shalt  }
0x6e: {  	_ =	shalt  }
0x6f: {  	_ =	shalt  }
0x70: {  	_ =	shalt  }
0x71: {  	_ =	shalt  }
0x72: {  	_ =	shalt  }
0x73: {  	_ =	shalt  }
0x74: {  	_ =	shalt  }
0x75: {  	_ =	shalt  }
0x76: {  	_ =	shalt  }
0x77: {  	_ =	shalt  }
0x78: {  	_ =	shalt  }
0x79: {  	_ =	shalt  }
0x7a: {  	_ =	shalt  }
0x7b: {  	_ =	shalt  }
0x7c: {  	_ =	shalt  }
0x7d: {  	_ =	shalt  }
0x7e: {  	_ =	shalt  }
0x7f: {  	_ =	shalt  }
0x80: {  	_ =	shalt  }
0x81: {  	_ =	shalt  }
0x82: {  	_ =	shalt  }
0x83: {  	_ =	shalt  }
0x84: {  	_ =	shalt  }
0x85: {  	_ =	shalt  }
0x86: {  	_ =	shalt  }
0x87: {  	_ =	shalt  }
.Lfunc_end0:
.L_simem_size_0:
called_computation.1_lowered:
.L_overlay_start_0:
0x88: {  	s2 =	sld [smem:$0x3FD9]  }
0x89: {  	s3 =	sld [smem:$0x3FFE];
	_ =	sdelay $0x1  }
0x8a: {  	s1 =	srdreg.scid  }
0x8b: {  	s0 =	sand.u32 $0x1, s1  }
0x8c: {  	s17 =	sshll.u32 s0, $0xA;
	s2 =	sadd.s32 s3, s2  }
0x8d: {  	s2 =	sadd.s32 s2, s17  }
0x8e: {  	[smem:$0x3FC2] =	sst s2  }
0x8f: {  	_ = 	snop  }
0x90: {  	s2 =	sld [smem:$0x3FD0];
	(tm) =	ssettm $0x1  }
0x91: {  	s18 =	sld [smem:$0x3FFB];
	_ =	sdelay $0x3  }
0x92: {  	_ =	strace s18  }
0x93: {  	s3 =	sld [smem:$0x3FFC];
	_ =	sdelay $0x3  }
0x94: {  	_ =	strace s3  }
0x95: {  	s3 =	sld [smem:$0x3FFD];
	_ =	sdelay $0x3  }
0x96: {  	_ =	strace s3  }
0x97: {  	_ =	strace $0x8FFFFFFF  }
0x98: {  	s19 =	sld [smem:$0x3FDB];
	_ =	sdelay $0x1  }
0x99: {  	s4 =	simm.s32 $_scs_section_size  }
0x9a: {  	s5 =	simm.s32 $_size__tile_overlayer_lowered;
	s6 =	simm.s32 $_tile_overlayer_lowered  }
0x9b: {  	s22 =	simm.s32 $0x1BFF;
	s21 =	sshll.u32 s6, $0x1;
	s3 =	sadd.s32 s4, s19  }
0x9c: {  	s7 =	simm.s32 $0x0;
	s20 =	sshll.u32 s5, $0x1;
	s5 =	sadd.s32 s21, s3  }
0x9d: {  	[timem:s7], [sflag:s22] =	dma.local [hbm:s5], s20  }
0x9e: {  	_ =	swait.ge [sflag:s22], s20  }
0x9f: {  	s4 =	ssub.s32 $0x0, s20;
	[sflag:s22] =	ssyncset.done $0x0  }
0xa0: {  	[sflag:s22] =	ssyncadd.s32 s4;
	_ =	sdelay $0x1  }
0xa1: {  	s23 =	simm.s32 $0x1B8B  }
0xa2: {  	_ =	swait.ge [sflag:s23], $0x1  }
0xa3: {  	[sflag:s23] =	ssyncset.done $0x0  }
0xa4: {  	s25 =	simm.s32 $0x1B8E;
	s24 =	sld [smem:$0x3FFE];
	[sflag:s23] =	ssyncadd.s32 $0xFFFFFFFF  }
0xa5: {  	s26 =	simm.s32 $execute0_lowered;
	[smem:$0x3FD2] =	sst s25  }
0xa6: {  	s5 =	sshll.u32 s26, $0x1;
	_ =	strace $0x80000049;
	[dreg:$0x1] =	wrdreg $0xFFFFFFFF  }
0xa7: {  	s28 =	simm.s32 $_size_execute0_lowered;
	s3 =	sadd.s32 s3, s5;
	[dreg:$0x0] =	wrdreg $0x0  }
0xa8: {  	s5 =	sshll.u32 s28, $0x1;
	[dreg:$0x2] =	wrdreg s3  }
0xa9: {  	[dreg:$0x3] =	wrdreg s5  }
0xaa: {  	[dreg:$0x4] =	wrdreg $0xC0  }
0xab: {  	_ =	task [dreg:s7], $0x5FFFF  }
0xac: {  	[dreg:$0x1] =	wrdreg $0xFFFFFFFF  }
0xad: {  	[dreg:$0x0] =	wrdreg $0x60  }
0xae: {  	[dreg:$0x2] =	wrdreg s2  }
0xaf: {  	[dreg:$0x3] =	wrdreg s24  }
0xb0: {  	[dreg:$0x4] =	wrdreg $0x29000  }
0xb1: {  	[dreg:$0x5] =	wrdreg $0x9  }
0xb2: {  	_ =	task.clear_ibuf [dreg:s7], $0x6FFFF;
	_ =	strace $0x90000049  }
0xb3: {  	s29 =	simm.s32 $0x9;
	_ =	strace $0x8000004B  }
0xb4: {  	_ =	swait.ge [sflag:s29], $0x1  }
0xb5: {  	[sflag:s29] =	ssyncadd.s32 $0xFFFFFFFF  }
0xb6: {  	_ =	strace $0x9000004B  }
0xb7: {  	_ =	sfence  }
0xb8: {  	s30 =	sld [smem:$0x0];
	_ =	sdelay $0x2  }
0xb9: {  	s31 =	sshll.u32 s1, $0xD;
	s1 =	sshrl.u32 s1, $0x2  }
0xba: {  	s3 =	sand.u32 $0x4000, s31;
	s1 =	sadd.s32 s1, s30  }
0xbb: {  	s0 =	sor.u32 s3, s0;
	s1 =	sshll.u32 s1, $0x11  }
0xbc: {  	s0 =	sor.u32 s1, s0  }
0xbd: {  	s0 =	sadd.s32 $0x8F2B, s0  }
0xbe: {  	[sflag:s0] =	ssyncadd.remote.s32 $0x1  }
0xbf: {  	_ =	sfence.sel $0xFFFF  }
0xc0: {  	[dreg:$0x0] =	wrdreg $0xFFFFFFFF;
	(pc) =	sbr.abs _section_cstart, $3  }
0xc1: {  	[dreg:$0x1] =	wrdreg $0xFFFFFFFF  }
0xc2: {  	_ =	task.clear_ibuf [dreg:s7], $0x2FFFF;
	_ =	strace $0x9FFFFFFF  }
0xc3: {  	(tm) =	ssettm $0x7FFFFFFF  }
tec
execute0_lowered:
.L_overlay_start_1:
0x0: {  	(tag) =	ssettag $0x1  }
0x1: {  	s1 =	rddreg [dreg:$0x0]  }
0x2: {  	s5 =	rddreg [dreg:$0x1]  }
0x3: {  	s0 =	srdreg.scid;
	s3 =	rddreg [dreg:$0x2]  }
0x4: {  	s2 =	rddreg [dreg:$0x3];
	s6 =	sand.u32 $0x1, s0  }
0x5: {  	s4 =	simm.s32 $0x0;
	s0 =	stileid.u32;
	s7 =	smul.u32 $0x27100, s6  }
0x6: {  	s13 =	simm.s32 $0x80;
	s14 =	simm.s32 $0x50;
	s8 =	smul.u32 $0x2710, s0  }
0x7: {  	s15 =	simm.s32 $0x100;
	s16 =	simm.s32 $0x1;
	s26 =	smul.u32 $0x13C00, s0  }
0x8: {  	s17 =	simm.s32 $0x0;
	[smem:$0x7FF] =	sst s4;
	s9 =	smul.u32 $0x13C000, s6  }
0x9: {  	_ =	strace $0x8000004A;
	s6 =	ssub.s32 $0x2, s6;
	s29 =	smul.u32 $0x4F000, s0  }
0xa: {  	s31 =	sshll.u32 s0, $0x6;
	s11 =	sshrl.u32 s6, $0x1;
	s7 =	sadd.s32 s8, s7  }
0xb: {  	s28 =	sshrl.u32 s26, $0x3;
	s8 =	sadd.s32 s26, s9;
	s11 =	ssub.s32 s6, s11  }
0xc: {  	s30 =	sshrl.u32 s29, $0x2;
	s6 =	sor.u32 $0x1C02, s31;
	s7 =	sshrl.u32 s7, $0x3  }
0xd: {  	s8 =	sshrl.u32 s8, $0x3;
	s10 =	sadd.s32 s7, s5;
	s7 =	sadd.s32 s28, s5  }
0xe: {  	s12 =	sadd.s32 s30, s3;
	s8 =	sadd.s32 s8, s5;
	s5 =	sadd.s32 $0x15E00, s7  }
0xf: {  	s7 =	sadd.s32 $0x8C600, s8;
	s8 =	smax.u32 s11, $0x1;
	s9 =	sadd.s32 $0x2200, s10  }
0x10: {  	s10 =	sadd.s32 $0xC000, s10;
	s11 =	sshrl.u32 s12, $0x3;
	s12 =	simm.s32 $0x2  }
.LBB2_1:
0x11: {  	[spmem:s11], [sflag:s6] =	dma.local [hbm:s5], $0x2780  }
0x12: {  	_ =	swait.ge [sflag:s12], $0x2780  }
0x13: {  	[sflag:s12] =	ssyncset.done $0x0  }
0x14: {  	[sflag:s12] =	ssyncadd.s32 $0xFFFFD880  }
0x15: {  	s18 =	sadd.s32 $0x0, s10;
	[bflag:$0x0] =	sbarrier.arrive $0xFFFF  }
0x16: {  	[tilespmem:s4], [sflag:$0x2] =	stream.linear.gather [hbm4b:s18+s4], $0x50, $0x38;
	[tilespmem:$0x16500] =	vst v63  }
0x17: {  	_ =	swait.ge [sflag:s12], $0x50  }
0x18: {  	[sflag:s12] =	ssyncset.done $0x0  }
0x19: {  	s31 =	sadd.s32 $0x0, s9;
	[sflag:s12] =	ssyncadd.s32 $0xFFFFFFB0  }
0x1a: {  	[tilespmem:s13], [sflag:$0x2] =	stream.linear.gather [hbm4b:s31+s4], $0x50, $0x38;
	[tilespmem:$0x16500] =	vst v63  }
0x1b: {  	_ =	swait.ge [sflag:s12], $0x50  }
0x1c: {  	[sflag:s12] =	ssyncset.done $0x0  }
0x1d: {  	[sflag:s12] =	ssyncadd.s32 $0xFFFFFFB0  }
0x1e: {  	[tilespmem:s15], [sflag:$0x1] =	stream.indirect.gather [hbm4b:s1+s14], $0x80, s4, s14, $0xb8;
	[tilespmem:$0x16500] =	vst v63  }
0x1f: {  	_ =	swait.ge [sflag:s16], $0x2800  }
0x20: {  	[sflag:s16] =	ssyncset.done $0x0  }
0x21: {  	[sflag:s16] =	ssyncadd.s32 $0xFFFFD800  }
0x22: {  	[spmem:s3] =	stream.indirect.scatter.add.f32 [tilespmem:s15], [sflag:$0x2], $0x80, s13, s14, $0xb8;
	[tilespmem:$0x16500] =	vst v63  }
0x23: {  	_ =	swait.ge [sflag:s12], $0x2800  }
0x24: {  	s19 =	simm.s32 $0x14;
	s18 =	simm.s32 $0xA;
	[sflag:s12] =	ssyncset.done $0x0  }
.LBB2_2:
0x25: {  	s20 =	sadd.s32 s18, s10  }
0x26: {  	[sflag:s12] =	ssyncadd.s32 $0xFFFFD800;
	s21 =	smov.u32 s19;
	s22 =	sadd.s32 $0xA, s19  }
0x27: {  	[tilespmem:s4], [sflag:$0x2] =	stream.linear.gather [hbm4b:s20+s4], $0x50, $0x38;
	[tilespmem:$0x16500] =	vst v63  }
0x28: {  	p0 =	sne.s32 s19, $0x4D8;
	_ =	swait.ge [sflag:s12], $0x50  }
0x29: {  	[sflag:s12] =	ssyncset.done $0x0  }
0x2a: {  	s19 =	sadd.s32 s18, s9;
	s18 =	smov.u32 s21;
	[sflag:s12] =	ssyncadd.s32 $0xFFFFFFB0  }
0x2b: {  	[tilespmem:s13], [sflag:$0x2] =	stream.linear.gather [hbm4b:s19+s4], $0x50, $0x38;
	[tilespmem:$0x16500] =	vst v63  }
0x2c: {  	_ =	swait.ge [sflag:s12], $0x50  }
0x2d: {  	[sflag:s12] =	ssyncset.done $0x0  }
0x2e: {  	[sflag:s12] =	ssyncadd.s32 $0xFFFFFFB0  }
0x2f: {  	[tilespmem:s15], [sflag:$0x1] =	stream.indirect.gather [hbm4b:s1+s14], $0x80, s4, s14, $0xb8;
	[tilespmem:$0x16500] =	vst v63  }
0x30: {  	_ =	swait.ge [sflag:s16], $0x2800  }
.Ltmp0:
0x31: {  	[sflag:s16] =	ssyncset.done $0x0;
	(pc) =	sbr.rel @p0 .LBB2_2-.Ltmp0, $4  }
0x32: {  	[sflag:s16] =	ssyncadd.s32 $0xFFFFD800  }
0x33: {  	[spmem:s3] =	stream.indirect.scatter.add.f32 [tilespmem:s15], [sflag:$0x2], $0x80, s13, s14, $0xb8;
	[tilespmem:$0x16500] =	vst v63  }
0x34: {  	_ =	swait.ge [sflag:s12], $0x2800  }
0x35: {  	s19 =	smov.u32 s22;
	[sflag:s12] =	ssyncset.done $0x0  }
0x36: {  	s19 =	sadd.s32 s18, s10;
	[sflag:s12] =	ssyncadd.s32 $0xFFFFD800  }
0x37: {  	[tilespmem:s4], [sflag:$0x2] =	stream.linear.gather [hbm4b:s19+s4], $0x50, $0x38;
	[tilespmem:$0x16500] =	vst v63  }
0x38: {  	_ =	swait.ge [sflag:s12], $0x50  }
0x39: {  	[sflag:s12] =	ssyncset.done $0x0  }
0x3a: {  	s31 =	sadd.s32 s18, s9;
	[sflag:s12] =	ssyncadd.s32 $0xFFFFFFB0  }
0x3b: {  	[tilespmem:s13], [sflag:$0x2] =	stream.linear.gather [hbm4b:s31+s4], $0x50, $0x38;
	[tilespmem:$0x16500] =	vst v63  }
0x3c: {  	_ =	swait.ge [sflag:s12], $0x50  }
0x3d: {  	[sflag:s12] =	ssyncset.done $0x0  }
0x3e: {  	[sflag:s12] =	ssyncadd.s32 $0xFFFFFFB0  }
0x3f: {  	[tilespmem:s15], [sflag:$0x1] =	stream.indirect.gather [hbm4b:s1+s14], $0x80, s4, s14, $0xb8;
	[tilespmem:$0x16500] =	vst v63  }
0x40: {  	_ =	swait.ge [sflag:s16], $0x2800  }
0x41: {  	[sflag:s16] =	ssyncset.done $0x0  }
0x42: {  	[sflag:s16] =	ssyncadd.s32 $0xFFFFD800  }
0x43: {  	[spmem:s3] =	stream.indirect.scatter.add.f32 [tilespmem:s15], [sflag:$0x2], $0x80, s13, s14, $0xb8;
	[tilespmem:$0x16500] =	vst v63  }
0x44: {  	_ =	swait.ge [sflag:s12], $0x2800  }
0x45: {  	s17 =	sadd.s32 $0x1, s17;
	[sflag:s12] =	ssyncset.done $0x0  }
0x46: {  	p0 =	sne.s32 s17, s8;
	[sflag:s12] =	ssyncadd.s32 $0xFFFFD800  }
.Ltmp1:
0x47: {  	[bflag:$0x0] =	sbarrier.arrive $0xFFFF;
	(pc) =	sbr.rel @p0 .LBB2_1-.Ltmp1, $4  }
0x48: {  	[hbm:s7], [sflag:s6] =	dma.local [spmem:s11], $0x2780  }
0x49: {  	_ =	swait.ge [sflag:s12], $0x2780  }
0x4a: {  	[sflag:s12] =	ssyncset.done $0x0  }
0x4b: {  	[sflag:s12] =	ssyncadd.s32 $0xFFFFD880  }
0x4c: {  	_ =	sfence.sel $0x180000  }
0x4d: {  	[bflag:$0x0] =	sbarrier.arrive $0xFFFF  }
0x4e: {  	p0 =	sne.s32 s0, $0x0;
	_ =	strace $0x9000004A  }
0x4f: {  	s0 =	sadd.s32 @!p0 $0x100000, s2;
	[bflag:$0x2] =	sbarrier.arrive $0xFFFF  }
0x50: {  	[sflag:s0] =	ssyncadd.tile.s32 @!p0 $0x1;
	_ =	shalt  }
.Lfunc_end2:
_tile_overlayer_lowered:
.L_overlay_start_2:
0x51: {  	(tag) =	ssettag $0x2  }
0x52: {  	s0 =	rddreg [dreg:$0x0];
	s2 =	stileid.u32  }
0x53: {  	s1 =	rddreg [dreg:$0x1];
	p0 =	sne.s32 s2, $0x0  }
0x54: {  	s3 =	rddreg [dreg:$0x2];
	[bflag:$0x3] =	sbarrier.arrive $0xFFFF;
	s2 =	simm.s32 @!p0 $0x1C02  }
0x55: {  	[timem:s3], [sflag:s2] =	dma.local @!p0 [hbm:s0], s1  }
0x56: {  	s0 =	simm.s32 @!p0 $0x2  }
0x57: {  	_ =	swait.ge @!p0 [sflag:s0], s1  }
0x58: {  	s1 =	ssub.s32 @!p0 $0x0, s1;
	[sflag:s0] =	ssyncset.done @!p0 $0x0  }
0x59: {  	[sflag:s0] =	ssyncadd.s32 @!p0 s1  }
0x5a: {  	[bflag:$0x3] =	sbarrier.arrive $0xFFFF  }
0x5b: {  	_ =	shalt  }

// kernel: kernel.14.cloned.1.call-start
scs
__scs_entry_jumppad:
0x0: {  	(pc) =	sbr.rel $0x88, $3  }
0x1: {  	(tag) =	ssettag $0x0;
	lr =	simm.s32 $0x1  }
0x2: {  	[smem:$0x3F9B] =	sst lr;
	_ =	strace $0xD0000000  }
0x3: {  	_ = 	snop  }
0x4: {  	_ = 	snop  }
0x5: {  	_ = 	snop  }
0x6: {  	_ = 	snop  }
0x7: {  	_ = 	snop  }
__scs_overlays_trampoline_lowered:
0x8: {  	[smem:$0x3FAA] =	sst s0  }
0x9: {  	[smem:$0x3FAB] =	sst s1  }
0xa: {  	[smem:$0x3FAC] =	sst s2  }
0xb: {  	[smem:$0x3FAD] =	sst s3  }
0xc: {  	[smem:$0x3FAE] =	sst s4  }
0xd: {  	[smem:$0x3FAF] =	sst s5  }
0xe: {  	[smem:$0x3FB0] =	sst s6  }
0xf: {  	[smem:$0x3FB1] =	sst s7  }
0x10: {  	[smem:$0x3FB2] =	sst s8  }
0x11: {  	[smem:$0x3FB3] =	sst s9;
	s0 =	simm.s32 @!p0 $0x0  }
0x12: {  	s1 =	sld [smem:$0x3F99];
	s0 =	simm.s32 @p0 $0x1  }
0x13: {  	[smem:$0x3FB4] =	sst s0;
	s0 =	simm.s32 @!p1 $0x0  }
0x14: {  	s2 =	sld [smem:$0x3F98];
	s0 =	simm.s32 @p1 $0x1  }
0x15: {  	[smem:$0x3FB5] =	sst s0;
	s0 =	simm.s32 @!p2 $0x0  }
0x16: {  	s3 =	sld [smem:$0x3FDB];
	s0 =	simm.s32 @p2 $0x1  }
0x17: {  	s4 =	simm.s32 $0x1BF5;
	[smem:$0x3FB7] =	sst s0  }
0x18: {  	s0 =	sld [smem:$0x3F9A];
	_ =	swait.ge [sflag:s4], $0x0  }
0x19: {  	s7 =	sld [smem:$0x3F9B]  }
0x1a: {  	s8 =	sadd.s32 $0xFFFFE003, lr  }
0x1b: {  	s9 =	sadd.s32 $0xFFFFFEF7, lr;
	s5 =	simm.s32 $0xFFFFFFFF;
	p2 =	slt.u32 s8, $0xFFFFF086  }
0x1c: {  	p1 =	slt.u32 s9, $0xF7A;
	s5 =	simm.s32 @!p2 $0x0  }
0x1d: {  	s5 =	simm.s32 @p1 $0x1;
	p0 =	seq.s32 s7, s2  }
0x1e: {  	s7 =	smul.u32 @!p0 $0xF7A, s2;
	p2 =	seq.s32 @!p0 s5, $0x0  }
0x1f: {  	s9 =	smul.u32 $0xF7A, s1;
	s8 =	simm.s32 @!p0 $0x1BF5;
	p2 =	por !p2, p0  }
0x20: {  	[sflag:s8] =	ssyncset.s32 @!p0 $0xFFFFF086;
	s6 =	sadd.s32 @!p0 s3, s7;
	s7 =	simm.s32 @!p0 $0x108  }
0x21: {  	s3 =	sadd.s32 s3, s9;
	s6 =	sadd.s32 @!p0 $0x88, s6;
	s7 =	simm.s32 @p2 $0x1082  }
0x22: {  	[simem:s7], [sflag:s8] =	dma.local @!p0 [hbm:s6], $0xF7A  }
0x23: {  	s9 =	sor.u32 $0xD0000000, s2;
	s6 =	simm.s32 $0x108;
	_ =	swait.ge @!p0 [sflag:s8], $0x0  }
0x24: {  	s3 =	sadd.s32 $0x88, s3;
	s6 =	simm.s32 @!p1 $0x1082;
	[sflag:s4] =	ssyncset.s32 $0xFFFFF086  }
0x25: {  	[simem:s6], [sflag:s4] =	dma.local [hbm:s3], $0xF7A  }
0x26: {  	[smem:$0x3F9B] =	sst s1;
	(tag) =	ssettag s2;
	_ =	strace s9  }
0x27: {  	s1 =	sld [smem:$0x3FAB]  }
0x28: {  	s2 =	sld [smem:$0x3FAC]  }
0x29: {  	s4 =	sld [smem:$0x3FAE]  }
0x2a: {  	p0 =	seq.s32 s5, $0x0;
	s5 =	sld [smem:$0x3FAF]  }
0x2b: {  	s6 =	sld [smem:$0x3FB0]  }
0x2c: {  	s7 =	sld [smem:$0x3FB1]  }
0x2d: {  	s3 =	simm.s32 $0x108;
	s8 =	sld [smem:$0x3FB2]  }
0x2e: {  	s3 =	simm.s32 @!p0 $0x1082;
	s9 =	sld [smem:$0x3FB3]  }
0x2f: {  	lr =	sadd.s32 s0, s3;
	s0 =	sld [smem:$0x3FAA]  }
0x30: {  	s3 =	sld [smem:$0x3FAD]  }
0x31: {  	[smem:$0x3FB6] =	sst s10  }
0x32: {  	s10 =	sld [smem:$0x3FB4];
	_ =	sdelay $0x3  }
0x33: {  	p0 =	seq.s32 s10, $0x1;
	s10 =	sld [smem:$0x3FB6];
	_ =	sdelay $0x3  }
0x34: {  	[smem:$0x3FB6] =	sst s10  }
0x35: {  	s10 =	sld [smem:$0x3FB5];
	_ =	sdelay $0x3  }
0x36: {  	p1 =	seq.s32 s10, $0x1;
	s10 =	sld [smem:$0x3FB6];
	_ =	sdelay $0x3  }
0x37: {  	[smem:$0x3FB6] =	sst s10  }
0x38: {  	s10 =	sld [smem:$0x3FB7]  }
0x39: {  	_ = 	snop;
	(pc) =	sbr.ind lr, $3  }
0x3a: {  	_ = 	snop  }
0x3b: {  	_ = 	snop  }
0x3c: {  	p2 =	seq.s32 s10, $0x1;
	s10 =	sld [smem:$0x3FB6]  }
0x3d: {  	_ =	shalt  }
0x3e: {  	_ =	shalt  }
0x3f: {  	_ =	shalt  }
0x40: {  	_ =	shalt  }
0x41: {  	_ =	shalt  }
0x42: {  	_ =	shalt  }
0x43: {  	_ =	shalt  }
0x44: {  	_ =	shalt  }
0x45: {  	_ =	shalt  }
0x46: {  	_ =	shalt  }
0x47: {  	_ =	shalt  }
0x48: {  	_ =	shalt  }
0x49: {  	_ =	shalt  }
0x4a: {  	_ =	shalt  }
0x4b: {  	_ =	shalt  }
0x4c: {  	_ =	shalt  }
0x4d: {  	_ =	shalt  }
0x4e: {  	_ =	shalt  }
0x4f: {  	_ =	shalt  }
0x50: {  	_ =	shalt  }
0x51: {  	_ =	shalt  }
0x52: {  	_ =	shalt  }
0x53: {  	_ =	shalt  }
0x54: {  	_ =	shalt  }
0x55: {  	_ =	shalt  }
0x56: {  	_ =	shalt  }
0x57: {  	_ =	shalt  }
0x58: {  	_ =	shalt  }
0x59: {  	_ =	shalt  }
0x5a: {  	_ =	shalt  }
0x5b: {  	_ =	shalt  }
0x5c: {  	_ =	shalt  }
0x5d: {  	_ =	shalt  }
0x5e: {  	_ =	shalt  }
0x5f: {  	_ =	shalt  }
0x60: {  	_ =	shalt  }
0x61: {  	_ =	shalt  }
0x62: {  	_ =	shalt  }
0x63: {  	_ =	shalt  }
0x64: {  	_ =	shalt  }
0x65: {  	_ =	shalt  }
0x66: {  	_ =	shalt  }
0x67: {  	_ =	shalt  }
0x68: {  	_ =	shalt  }
0x69: {  	_ =	shalt  }
0x6a: {  	_ =	shalt  }
0x6b: {  	_ =	shalt  }
0x6c: {  	_ =	shalt  }
0x6d: {  	_ =	shalt  }
0x6e: {  	_ =	shalt  }
0x6f: {  	_ =	shalt  }
0x70: {  	_ =	shalt  }
0x71: {  	_ =	shalt  }
0x72: {  	_ =	shalt  }
0x73: {  	_ =	shalt  }
0x74: {  	_ =	shalt  }
0x75: {  	_ =	shalt  }
0x76: {  	_ =	shalt  }
0x77: {  	_ =	shalt  }
0x78: {  	_ =	shalt  }
0x79: {  	_ =	shalt  }
0x7a: {  	_ =	shalt  }
0x7b: {  	_ =	shalt  }
0x7c: {  	_ =	shalt  }
0x7d: {  	_ =	shalt  }
0x7e: {  	_ =	shalt  }
0x7f: {  	_ =	shalt  }
0x80: {  	_ =	shalt  }
0x81: {  	_ =	shalt  }
0x82: {  	_ =	shalt  }
0x83: {  	_ =	shalt  }
0x84: {  	_ =	shalt  }
0x85: {  	_ =	shalt  }
0x86: {  	_ =	shalt  }
0x87: {  	_ =	shalt  }
.Lfunc_end0:
.L_simem_size_0:
called_computation.2_lowered:
.L_overlay_start_0:
0x88: {  	s2 =	sld [smem:$0x3FD9]  }
0x89: {  	s3 =	sld [smem:$0x3FFE];
	_ =	sdelay $0x1  }
0x8a: {  	s1 =	srdreg.scid  }
0x8b: {  	s0 =	sand.u32 $0x1, s1  }
0x8c: {  	s17 =	sshll.u32 s0, $0xA;
	s2 =	sadd.s32 s3, s2  }
0x8d: {  	s2 =	sadd.s32 s2, s17  }
0x8e: {  	[smem:$0x3FC2] =	sst s2  }
0x8f: {  	_ = 	snop  }
0x90: {  	s2 =	sld [smem:$0x3FD0];
	(tm) =	ssettm $0x1  }
0x91: {  	s18 =	sld [smem:$0x3FFB];
	_ =	sdelay $0x3  }
0x92: {  	_ =	strace s18  }
0x93: {  	s3 =	sld [smem:$0x3FFC];
	_ =	sdelay $0x3  }
0x94: {  	_ =	strace s3  }
0x95: {  	s3 =	sld [smem:$0x3FFD];
	_ =	sdelay $0x3  }
0x96: {  	_ =	strace s3  }
0x97: {  	_ =	strace $0x8FFFFFFF  }
0x98: {  	s19 =	sld [smem:$0x3FDB];
	_ =	sdelay $0x1  }
0x99: {  	s4 =	simm.s32 $_scs_section_size  }
0x9a: {  	s5 =	simm.s32 $_size__tile_overlayer_lowered;
	s6 =	simm.s32 $_tile_overlayer_lowered  }
0x9b: {  	s22 =	simm.s32 $0x1BFF;
	s21 =	sshll.u32 s6, $0x1;
	s3 =	sadd.s32 s4, s19  }
0x9c: {  	s7 =	simm.s32 $0x0;
	s20 =	sshll.u32 s5, $0x1;
	s5 =	sadd.s32 s21, s3  }
0x9d: {  	[timem:s7], [sflag:s22] =	dma.local [hbm:s5], s20  }
0x9e: {  	_ =	swait.ge [sflag:s22], s20  }
0x9f: {  	s4 =	ssub.s32 $0x0, s20;
	[sflag:s22] =	ssyncset.done $0x0  }
0xa0: {  	[sflag:s22] =	ssyncadd.s32 s4;
	_ =	sdelay $0x1  }
0xa1: {  	s23 =	simm.s32 $0x1B8B  }
0xa2: {  	_ =	swait.ge [sflag:s23], $0x1  }
0xa3: {  	[sflag:s23] =	ssyncset.done $0x0  }
0xa4: {  	s25 =	simm.s32 $0x1B8E;
	s24 =	sld [smem:$0x3FFE];
	[sflag:s23] =	ssyncadd.s32 $0xFFFFFFFF  }
0xa5: {  	s26 =	simm.s32 $execute0_lowered;
	[smem:$0x3FD2] =	sst s25  }
0xa6: {  	s5 =	sshll.u32 s26, $0x1;
	_ =	strace $0x8000004C;
	[dreg:$0x1] =	wrdreg $0xFFFFFFFF  }
0xa7: {  	s28 =	simm.s32 $_size_execute0_lowered;
	s3 =	sadd.s32 s3, s5;
	[dreg:$0x0] =	wrdreg $0x0  }
0xa8: {  	s5 =	sshll.u32 s28, $0x1;
	[dreg:$0x2] =	wrdreg s3  }
0xa9: {  	[dreg:$0x3] =	wrdreg s5  }
0xaa: {  	[dreg:$0x4] =	wrdreg $0xC0  }
0xab: {  	_ =	task [dreg:s7], $0x5FFFF  }
0xac: {  	[dreg:$0x1] =	wrdreg $0xFFFFFFFF  }
0xad: {  	[dreg:$0x0] =	wrdreg $0x60  }
0xae: {  	[dreg:$0x2] =	wrdreg s2  }
0xaf: {  	[dreg:$0x3] =	wrdreg s24  }
0xb0: {  	[dreg:$0x4] =	wrdreg $0x29000  }
0xb1: {  	[dreg:$0x5] =	wrdreg $0x9  }
0xb2: {  	_ =	task.clear_ibuf [dreg:s7], $0x6FFFF;
	_ =	strace $0x9000004C  }
0xb3: {  	s29 =	simm.s32 $0x9;
	_ =	strace $0x8000004E  }
0xb4: {  	_ =	swait.ge [sflag:s29], $0x1  }
0xb5: {  	[sflag:s29] =	ssyncadd.s32 $0xFFFFFFFF  }
0xb6: {  	_ =	strace $0x9000004E  }
0xb7: {  	_ =	sfence  }
0xb8: {  	s30 =	sld [smem:$0x0];
	_ =	sdelay $0x2  }
0xb9: {  	s31 =	sshll.u32 s1, $0xD;
	s1 =	sshrl.u32 s1, $0x2  }
0xba: {  	s3 =	sand.u32 $0x4000, s31;
	s1 =	sadd.s32 s1, s30  }
0xbb: {  	s0 =	sor.u32 s3, s0;
	s1 =	sshll.u32 s1, $0x11  }
0xbc: {  	s0 =	sor.u32 s1, s0  }
0xbd: {  	s0 =	sadd.s32 $0x8F2B, s0  }
0xbe: {  	[sflag:s0] =	ssyncadd.remote.s32 $0x1  }
0xbf: {  	_ =	sfence.sel $0xFFFF  }
0xc0: {  	[dreg:$0x0] =	wrdreg $0xFFFFFFFF;
	(pc) =	sbr.abs _section_cstart, $3  }
0xc1: {  	[dreg:$0x1] =	wrdreg $0xFFFFFFFF  }
0xc2: {  	_ =	task.clear_ibuf [dreg:s7], $0x2FFFF;
	_ =	strace $0x9FFFFFFF  }
0xc3: {  	(tm) =	ssettm $0x7FFFFFFF  }
tec
execute0_lowered:
.L_overlay_start_1:
0x0: {  	(tag) =	ssettag $0x1  }
0x1: {  	s1 =	rddreg [dreg:$0x0]  }
0x2: {  	s5 =	rddreg [dreg:$0x1]  }
0x3: {  	s0 =	srdreg.scid;
	s3 =	rddreg [dreg:$0x2]  }
0x4: {  	s2 =	rddreg [dreg:$0x3];
	s6 =	sand.u32 $0x1, s0  }
0x5: {  	s4 =	simm.s32 $0x0;
	s0 =	stileid.u32;
	s7 =	smul.u32 $0x27100, s6  }
0x6: {  	s13 =	simm.s32 $0x80;
	s14 =	simm.s32 $0x50;
	s8 =	smul.u32 $0x2710, s0  }
0x7: {  	s15 =	simm.s32 $0x100;
	s16 =	simm.s32 $0x1;
	s26 =	smul.u32 $0x13C00, s0  }
0x8: {  	s17 =	simm.s32 $0x0;
	[smem:$0x7FF] =	sst s4;
	s9 =	smul.u32 $0x13C000, s6  }
0x9: {  	_ =	strace $0x8000004D;
	s6 =	ssub.s32 $0x2, s6;
	s29 =	smul.u32 $0x4F000, s0  }
0xa: {  	s31 =	sshll.u32 s0, $0x6;
	s11 =	sshrl.u32 s6, $0x1;
	s7 =	sadd.s32 s8, s7  }
0xb: {  	s28 =	sshrl.u32 s26, $0x3;
	s8 =	sadd.s32 s26, s9;
	s11 =	ssub.s32 s6, s11  }
0xc: {  	s30 =	sshrl.u32 s29, $0x2;
	s6 =	sor.u32 $0x1C02, s31;
	s7 =	sshrl.u32 s7, $0x3  }
0xd: {  	s8 =	sshrl.u32 s8, $0x3;
	s10 =	sadd.s32 s7, s5;
	s7 =	sadd.s32 s28, s5  }
0xe: {  	s12 =	sadd.s32 s30, s3;
	s8 =	sadd.s32 s8, s5;
	s5 =	sadd.s32 $0x15E00, s7  }
0xf: {  	s7 =	sadd.s32 $0x8C600, s8;
	s8 =	smax.u32 s11, $0x1;
	s9 =	sadd.s32 $0x2200, s10  }
0x10: {  	s10 =	sadd.s32 $0xC000, s10;
	s11 =	sshrl.u32 s12, $0x3;
	s12 =	simm.s32 $0x2  }
.LBB2_1:
0x11: {  	[spmem:s11], [sflag:s6] =	dma.local [hbm:s5], $0x2780  }
0x12: {  	_ =	swait.ge [sflag:s12], $0x2780  }
0x13: {  	[sflag:s12] =	ssyncset.done $0x0  }
0x14: {  	[sflag:s12] =	ssyncadd.s32 $0xFFFFD880  }
0x15: {  	s18 =	sadd.s32 $0x0, s10;
	[bflag:$0x0] =	sbarrier.arrive $0xFFFF  }
0x16: {  	[tilespmem:s4], [sflag:$0x2] =	stream.linear.gather [hbm4b:s18+s4], $0x50, $0x38;
	[tilespmem:$0x16500] =	vst v63  }
0x17: {  	_ =	swait.ge [sflag:s12], $0x50  }
0x18: {  	[sflag:s12] =	ssyncset.done $0x0  }
0x19: {  	s31 =	sadd.s32 $0x0, s9;
	[sflag:s12] =	ssyncadd.s32 $0xFFFFFFB0  }
0x1a: {  	[tilespmem:s13], [sflag:$0x2] =	stream.linear.gather [hbm4b:s31+s4], $0x50, $0x38;
	[tilespmem:$0x16500] =	vst v63  }
0x1b: {  	_ =	swait.ge [sflag:s12], $0x50  }
0x1c: {  	[sflag:s12] =	ssyncset.done $0x0  }
0x1d: {  	[sflag:s12] =	ssyncadd.s32 $0xFFFFFFB0  }
0x1e: {  	[tilespmem:s15], [sflag:$0x1] =	stream.indirect.gather [hbm4b:s1+s14], $0x80, s4, s14, $0xb8;
	[tilespmem:$0x16500] =	vst v63  }
0x1f: {  	_ =	swait.ge [sflag:s16], $0x2800  }
0x20: {  	[sflag:s16] =	ssyncset.done $0x0  }
0x21: {  	[sflag:s16] =	ssyncadd.s32 $0xFFFFD800  }
0x22: {  	[spmem:s3] =	stream.indirect.scatter.add.f32 [tilespmem:s15], [sflag:$0x2], $0x80, s13, s14, $0xb8;
	[tilespmem:$0x16500] =	vst v63  }
0x23: {  	_ =	swait.ge [sflag:s12], $0x2800  }
0x24: {  	s19 =	simm.s32 $0x14;
	s18 =	simm.s32 $0xA;
	[sflag:s12] =	ssyncset.done $0x0  }
.LBB2_2:
0x25: {  	s20 =	sadd.s32 s18, s10  }
0x26: {  	[sflag:s12] =	ssyncadd.s32 $0xFFFFD800;
	s21 =	smov.u32 s19;
	s22 =	sadd.s32 $0xA, s19  }
0x27: {  	[tilespmem:s4], [sflag:$0x2] =	stream.linear.gather [hbm4b:s20+s4], $0x50, $0x38;
	[tilespmem:$0x16500] =	vst v63  }
0x28: {  	p0 =	sne.s32 s19, $0x4D8;
	_ =	swait.ge [sflag:s12], $0x50  }
0x29: {  	[sflag:s12] =	ssyncset.done $0x0  }
0x2a: {  	s19 =	sadd.s32 s18, s9;
	s18 =	smov.u32 s21;
	[sflag:s12] =	ssyncadd.s32 $0xFFFFFFB0  }
0x2b: {  	[tilespmem:s13], [sflag:$0x2] =	stream.linear.gather [hbm4b:s19+s4], $0x50, $0x38;
	[tilespmem:$0x16500] =	vst v63  }
0x2c: {  	_ =	swait.ge [sflag:s12], $0x50  }
0x2d: {  	[sflag:s12] =	ssyncset.done $0x0  }
0x2e: {  	[sflag:s12] =	ssyncadd.s32 $0xFFFFFFB0  }
0x2f: {  	[tilespmem:s15], [sflag:$0x1] =	stream.indirect.gather [hbm4b:s1+s14], $0x80, s4, s14, $0xb8;
	[tilespmem:$0x16500] =	vst v63  }
0x30: {  	_ =	swait.ge [sflag:s16], $0x2800  }
.Ltmp0:
0x31: {  	[sflag:s16] =	ssyncset.done $0x0;
	(pc) =	sbr.rel @p0 .LBB2_2-.Ltmp0, $4  }
0x32: {  	[sflag:s16] =	ssyncadd.s32 $0xFFFFD800  }
0x33: {  	[spmem:s3] =	stream.indirect.scatter.add.f32 [tilespmem:s15], [sflag:$0x2], $0x80, s13, s14, $0xb8;
	[tilespmem:$0x16500] =	vst v63  }
0x34: {  	_ =	swait.ge [sflag:s12], $0x2800  }
0x35: {  	s19 =	smov.u32 s22;
	[sflag:s12] =	ssyncset.done $0x0  }
0x36: {  	s19 =	sadd.s32 s18, s10;
	[sflag:s12] =	ssyncadd.s32 $0xFFFFD800  }
0x37: {  	[tilespmem:s4], [sflag:$0x2] =	stream.linear.gather [hbm4b:s19+s4], $0x50, $0x38;
	[tilespmem:$0x16500] =	vst v63  }
0x38: {  	_ =	swait.ge [sflag:s12], $0x50  }
0x39: {  	[sflag:s12] =	ssyncset.done $0x0  }
0x3a: {  	s31 =	sadd.s32 s18, s9;
	[sflag:s12] =	ssyncadd.s32 $0xFFFFFFB0  }
0x3b: {  	[tilespmem:s13], [sflag:$0x2] =	stream.linear.gather [hbm4b:s31+s4], $0x50, $0x38;
	[tilespmem:$0x16500] =	vst v63  }
0x3c: {  	_ =	swait.ge [sflag:s12], $0x50  }
0x3d: {  	[sflag:s12] =	ssyncset.done $0x0  }
0x3e: {  	[sflag:s12] =	ssyncadd.s32 $0xFFFFFFB0  }
0x3f: {  	[tilespmem:s15], [sflag:$0x1] =	stream.indirect.gather [hbm4b:s1+s14], $0x80, s4, s14, $0xb8;
	[tilespmem:$0x16500] =	vst v63  }
0x40: {  	_ =	swait.ge [sflag:s16], $0x2800  }
0x41: {  	[sflag:s16] =	ssyncset.done $0x0  }
0x42: {  	[sflag:s16] =	ssyncadd.s32 $0xFFFFD800  }
0x43: {  	[spmem:s3] =	stream.indirect.scatter.add.f32 [tilespmem:s15], [sflag:$0x2], $0x80, s13, s14, $0xb8;
	[tilespmem:$0x16500] =	vst v63  }
0x44: {  	_ =	swait.ge [sflag:s12], $0x2800  }
0x45: {  	s17 =	sadd.s32 $0x1, s17;
	[sflag:s12] =	ssyncset.done $0x0  }
0x46: {  	p0 =	sne.s32 s17, s8;
	[sflag:s12] =	ssyncadd.s32 $0xFFFFD800  }
.Ltmp1:
0x47: {  	[bflag:$0x0] =	sbarrier.arrive $0xFFFF;
	(pc) =	sbr.rel @p0 .LBB2_1-.Ltmp1, $4  }
0x48: {  	[hbm:s7], [sflag:s6] =	dma.local [spmem:s11], $0x2780  }
0x49: {  	_ =	swait.ge [sflag:s12], $0x2780  }
0x4a: {  	[sflag:s12] =	ssyncset.done $0x0  }
0x4b: {  	[sflag:s12] =	ssyncadd.s32 $0xFFFFD880  }
0x4c: {  	_ =	sfence.sel $0x180000  }
0x4d: {  	[bflag:$0x0] =	sbarrier.arrive $0xFFFF  }
0x4e: {  	p0 =	sne.s32 s0, $0x0;
	_ =	strace $0x9000004D  }
0x4f: {  	s0 =	sadd.s32 @!p0 $0x100000, s2;
	[bflag:$0x2] =	sbarrier.arrive $0xFFFF  }
0x50: {  	[sflag:s0] =	ssyncadd.tile.s32 @!p0 $0x1;
	_ =	shalt  }
.Lfunc_end2:
_tile_overlayer_lowered:
.L_overlay_start_2:
0x51: {  	(tag) =	ssettag $0x2  }
0x52: {  	s0 =	rddreg [dreg:$0x0];
	s2 =	stileid.u32  }
0x53: {  	s1 =	rddreg [dreg:$0x1];
	p0 =	sne.s32 s2, $0x0  }
0x54: {  	s3 =	rddreg [dreg:$0x2];
	[bflag:$0x3] =	sbarrier.arrive $0xFFFF;
	s2 =	simm.s32 @!p0 $0x1C02  }
0x55: {  	[timem:s3], [sflag:s2] =	dma.local @!p0 [hbm:s0], s1  }
0x56: {  	s0 =	simm.s32 @!p0 $0x2  }
0x57: {  	_ =	swait.ge @!p0 [sflag:s0], s1  }
0x58: {  	s1 =	ssub.s32 @!p0 $0x0, s1;
	[sflag:s0] =	ssyncset.done @!p0 $0x0  }
0x59: {  	[sflag:s0] =	ssyncadd.s32 @!p0 s1  }
0x5a: {  	[bflag:$0x3] =	sbarrier.arrive $0xFFFF  }
0x5b: {  	_ =	shalt  }

// kernel: kernel.8.cloned.1.call-start
scs
__scs_entry_jumppad:
0x0: {  	(pc) =	sbr.rel $0x88, $3  }
0x1: {  	(tag) =	ssettag $0x0;
	lr =	simm.s32 $0x1  }
0x2: {  	[smem:$0x3F9B] =	sst lr;
	_ =	strace $0xD0000000  }
0x3: {  	_ = 	snop  }
0x4: {  	_ = 	snop  }
0x5: {  	_ = 	snop  }
0x6: {  	_ = 	snop  }
0x7: {  	_ = 	snop  }
__scs_overlays_trampoline_lowered:
0x8: {  	[smem:$0x3FAA] =	sst s0  }
0x9: {  	[smem:$0x3FAB] =	sst s1  }
0xa: {  	[smem:$0x3FAC] =	sst s2  }
0xb: {  	[smem:$0x3FAD] =	sst s3  }
0xc: {  	[smem:$0x3FAE] =	sst s4  }
0xd: {  	[smem:$0x3FAF] =	sst s5  }
0xe: {  	[smem:$0x3FB0] =	sst s6  }
0xf: {  	[smem:$0x3FB1] =	sst s7  }
0x10: {  	[smem:$0x3FB2] =	sst s8  }
0x11: {  	[smem:$0x3FB3] =	sst s9;
	s0 =	simm.s32 @!p0 $0x0  }
0x12: {  	s1 =	sld [smem:$0x3F99];
	s0 =	simm.s32 @p0 $0x1  }
0x13: {  	[smem:$0x3FB4] =	sst s0;
	s0 =	simm.s32 @!p1 $0x0  }
0x14: {  	s2 =	sld [smem:$0x3F98];
	s0 =	simm.s32 @p1 $0x1  }
0x15: {  	[smem:$0x3FB5] =	sst s0;
	s0 =	simm.s32 @!p2 $0x0  }
0x16: {  	s3 =	sld [smem:$0x3FDB];
	s0 =	simm.s32 @p2 $0x1  }
0x17: {  	s4 =	simm.s32 $0x1BF5;
	[smem:$0x3FB7] =	sst s0  }
0x18: {  	s0 =	sld [smem:$0x3F9A];
	_ =	swait.ge [sflag:s4], $0x0  }
0x19: {  	s7 =	sld [smem:$0x3F9B]  }
0x1a: {  	s8 =	sadd.s32 $0xFFFFE003, lr  }
0x1b: {  	s9 =	sadd.s32 $0xFFFFFEF7, lr;
	s5 =	simm.s32 $0xFFFFFFFF;
	p2 =	slt.u32 s8, $0xFFFFF086  }
0x1c: {  	p1 =	slt.u32 s9, $0xF7A;
	s5 =	simm.s32 @!p2 $0x0  }
0x1d: {  	s5 =	simm.s32 @p1 $0x1;
	p0 =	seq.s32 s7, s2  }
0x1e: {  	s7 =	smul.u32 @!p0 $0xF7A, s2;
	p2 =	seq.s32 @!p0 s5, $0x0  }
0x1f: {  	s9 =	smul.u32 $0xF7A, s1;
	s8 =	simm.s32 @!p0 $0x1BF5;
	p2 =	por !p2, p0  }
0x20: {  	[sflag:s8] =	ssyncset.s32 @!p0 $0xFFFFF086;
	s6 =	sadd.s32 @!p0 s3, s7;
	s7 =	simm.s32 @!p0 $0x108  }
0x21: {  	s3 =	sadd.s32 s3, s9;
	s6 =	sadd.s32 @!p0 $0x88, s6;
	s7 =	simm.s32 @p2 $0x1082  }
0x22: {  	[simem:s7], [sflag:s8] =	dma.local @!p0 [hbm:s6], $0xF7A  }
0x23: {  	s9 =	sor.u32 $0xD0000000, s2;
	s6 =	simm.s32 $0x108;
	_ =	swait.ge @!p0 [sflag:s8], $0x0  }
0x24: {  	s3 =	sadd.s32 $0x88, s3;
	s6 =	simm.s32 @!p1 $0x1082;
	[sflag:s4] =	ssyncset.s32 $0xFFFFF086  }
0x25: {  	[simem:s6], [sflag:s4] =	dma.local [hbm:s3], $0xF7A  }
0x26: {  	[smem:$0x3F9B] =	sst s1;
	(tag) =	ssettag s2;
	_ =	strace s9  }
0x27: {  	s1 =	sld [smem:$0x3FAB]  }
0x28: {  	s2 =	sld [smem:$0x3FAC]  }
0x29: {  	s4 =	sld [smem:$0x3FAE]  }
0x2a: {  	p0 =	seq.s32 s5, $0x0;
	s5 =	sld [smem:$0x3FAF]  }
0x2b: {  	s6 =	sld [smem:$0x3FB0]  }
0x2c: {  	s7 =	sld [smem:$0x3FB1]  }
0x2d: {  	s3 =	simm.s32 $0x108;
	s8 =	sld [smem:$0x3FB2]  }
0x2e: {  	s3 =	simm.s32 @!p0 $0x1082;
	s9 =	sld [smem:$0x3FB3]  }
0x2f: {  	lr =	sadd.s32 s0, s3;
	s0 =	sld [smem:$0x3FAA]  }
0x30: {  	s3 =	sld [smem:$0x3FAD]  }
0x31: {  	[smem:$0x3FB6] =	sst s10  }
0x32: {  	s10 =	sld [smem:$0x3FB4];
	_ =	sdelay $0x3  }
0x33: {  	p0 =	seq.s32 s10, $0x1;
	s10 =	sld [smem:$0x3FB6];
	_ =	sdelay $0x3  }
0x34: {  	[smem:$0x3FB6] =	sst s10  }
0x35: {  	s10 =	sld [smem:$0x3FB5];
	_ =	sdelay $0x3  }
0x36: {  	p1 =	seq.s32 s10, $0x1;
	s10 =	sld [smem:$0x3FB6];
	_ =	sdelay $0x3  }
0x37: {  	[smem:$0x3FB6] =	sst s10  }
0x38: {  	s10 =	sld [smem:$0x3FB7]  }
0x39: {  	_ = 	snop;
	(pc) =	sbr.ind lr, $3  }
0x3a: {  	_ = 	snop  }
0x3b: {  	_ = 	snop  }
0x3c: {  	p2 =	seq.s32 s10, $0x1;
	s10 =	sld [smem:$0x3FB6]  }
0x3d: {  	_ =	shalt  }
0x3e: {  	_ =	shalt  }
0x3f: {  	_ =	shalt  }
0x40: {  	_ =	shalt  }
0x41: {  	_ =	shalt  }
0x42: {  	_ =	shalt  }
0x43: {  	_ =	shalt  }
0x44: {  	_ =	shalt  }
0x45: {  	_ =	shalt  }
0x46: {  	_ =	shalt  }
0x47: {  	_ =	shalt  }
0x48: {  	_ =	shalt  }
0x49: {  	_ =	shalt  }
0x4a: {  	_ =	shalt  }
0x4b: {  	_ =	shalt  }
0x4c: {  	_ =	shalt  }
0x4d: {  	_ =	shalt  }
0x4e: {  	_ =	shalt  }
0x4f: {  	_ =	shalt  }
0x50: {  	_ =	shalt  }
0x51: {  	_ =	shalt  }
0x52: {  	_ =	shalt  }
0x53: {  	_ =	shalt  }
0x54: {  	_ =	shalt  }
0x55: {  	_ =	shalt  }
0x56: {  	_ =	shalt  }
0x57: {  	_ =	shalt  }
0x58: {  	_ =	shalt  }
0x59: {  	_ =	shalt  }
0x5a: {  	_ =	shalt  }
0x5b: {  	_ =	shalt  }
0x5c: {  	_ =	shalt  }
0x5d: {  	_ =	shalt  }
0x5e: {  	_ =	shalt  }
0x5f: {  	_ =	shalt  }
0x60: {  	_ =	shalt  }
0x61: {  	_ =	shalt  }
0x62: {  	_ =	shalt  }
0x63: {  	_ =	shalt  }
0x64: {  	_ =	shalt  }
0x65: {  	_ =	shalt  }
0x66: {  	_ =	shalt  }
0x67: {  	_ =	shalt  }
0x68: {  	_ =	shalt  }
0x69: {  	_ =	shalt  }
0x6a: {  	_ =	shalt  }
0x6b: {  	_ =	shalt  }
0x6c: {  	_ =	shalt  }
0x6d: {  	_ =	shalt  }
0x6e: {  	_ =	shalt  }
0x6f: {  	_ =	shalt  }
0x70: {  	_ =	shalt  }
0x71: {  	_ =	shalt  }
0x72: {  	_ =	shalt  }
0x73: {  	_ =	shalt  }
0x74: {  	_ =	shalt  }
0x75: {  	_ =	shalt  }
0x76: {  	_ =	shalt  }
0x77: {  	_ =	shalt  }
0x78: {  	_ =	shalt  }
0x79: {  	_ =	shalt  }
0x7a: {  	_ =	shalt  }
0x7b: {  	_ =	shalt  }
0x7c: {  	_ =	shalt  }
0x7d: {  	_ =	shalt  }
0x7e: {  	_ =	shalt  }
0x7f: {  	_ =	shalt  }
0x80: {  	_ =	shalt  }
0x81: {  	_ =	shalt  }
0x82: {  	_ =	shalt  }
0x83: {  	_ =	shalt  }
0x84: {  	_ =	shalt  }
0x85: {  	_ =	shalt  }
0x86: {  	_ =	shalt  }
0x87: {  	_ =	shalt  }
.Lfunc_end0:
.L_simem_size_0:
called_computation_lowered:
.L_overlay_start_0:
0x88: {  	s2 =	sld [smem:$0x3FD9]  }
0x89: {  	s3 =	sld [smem:$0x3FFE];
	_ =	sdelay $0x1  }
0x8a: {  	s1 =	srdreg.scid  }
0x8b: {  	s0 =	sand.u32 $0x1, s1  }
0x8c: {  	s17 =	sshll.u32 s0, $0xA;
	s2 =	sadd.s32 s3, s2  }
0x8d: {  	s2 =	sadd.s32 s2, s17  }
0x8e: {  	[smem:$0x3FC2] =	sst s2  }
0x8f: {  	_ = 	snop  }
0x90: {  	s2 =	sld [smem:$0x3FD0];
	(tm) =	ssettm $0x1  }
0x91: {  	s18 =	sld [smem:$0x3FFB];
	_ =	sdelay $0x3  }
0x92: {  	_ =	strace s18  }
0x93: {  	s3 =	sld [smem:$0x3FFC];
	_ =	sdelay $0x3  }
0x94: {  	_ =	strace s3  }
0x95: {  	s3 =	sld [smem:$0x3FFD];
	_ =	sdelay $0x3  }
0x96: {  	_ =	strace s3  }
0x97: {  	_ =	strace $0x8FFFFFFF  }
0x98: {  	s19 =	sld [smem:$0x3FDB];
	_ =	sdelay $0x1  }
0x99: {  	s4 =	simm.s32 $_scs_section_size  }
0x9a: {  	s5 =	simm.s32 $_size__tile_overlayer_lowered;
	s6 =	simm.s32 $_tile_overlayer_lowered  }
0x9b: {  	s22 =	simm.s32 $0x1BFF;
	s21 =	sshll.u32 s6, $0x1;
	s3 =	sadd.s32 s4, s19  }
0x9c: {  	s7 =	simm.s32 $0x0;
	s20 =	sshll.u32 s5, $0x1;
	s5 =	sadd.s32 s21, s3  }
0x9d: {  	[timem:s7], [sflag:s22] =	dma.local [hbm:s5], s20  }
0x9e: {  	_ =	swait.ge [sflag:s22], s20  }
0x9f: {  	s4 =	ssub.s32 $0x0, s20;
	[sflag:s22] =	ssyncset.done $0x0  }
0xa0: {  	[sflag:s22] =	ssyncadd.s32 s4;
	_ =	sdelay $0x1  }
0xa1: {  	s23 =	simm.s32 $0x1B8B  }
0xa2: {  	_ =	swait.ge [sflag:s23], $0x1  }
0xa3: {  	[sflag:s23] =	ssyncset.done $0x0  }
0xa4: {  	s25 =	simm.s32 $0x1B8E;
	s24 =	sld [smem:$0x3FFE];
	[sflag:s23] =	ssyncadd.s32 $0xFFFFFFFF  }
0xa5: {  	s26 =	simm.s32 $execute0_lowered;
	[smem:$0x3FD2] =	sst s25  }
0xa6: {  	s5 =	sshll.u32 s26, $0x1;
	_ =	strace $0x80000046;
	[dreg:$0x1] =	wrdreg $0xFFFFFFFF  }
0xa7: {  	s28 =	simm.s32 $_size_execute0_lowered;
	s3 =	sadd.s32 s3, s5;
	[dreg:$0x0] =	wrdreg $0x0  }
0xa8: {  	s5 =	sshll.u32 s28, $0x1;
	[dreg:$0x2] =	wrdreg s3  }
0xa9: {  	[dreg:$0x3] =	wrdreg s5  }
0xaa: {  	[dreg:$0x4] =	wrdreg $0xC0  }
0xab: {  	_ =	task [dreg:s7], $0x5FFFF  }
0xac: {  	[dreg:$0x1] =	wrdreg $0xFFFFFFFF  }
0xad: {  	[dreg:$0x0] =	wrdreg $0x60  }
0xae: {  	[dreg:$0x2] =	wrdreg s2  }
0xaf: {  	[dreg:$0x3] =	wrdreg s24  }
0xb0: {  	[dreg:$0x4] =	wrdreg $0x28800  }
0xb1: {  	[dreg:$0x5] =	wrdreg $0x9  }
0xb2: {  	_ =	task.clear_ibuf [dreg:s7], $0x6FFFF;
	_ =	strace $0x90000046  }
0xb3: {  	s29 =	simm.s32 $0x9;
	_ =	strace $0x80000048  }
0xb4: {  	_ =	swait.ge [sflag:s29], $0x1  }
0xb5: {  	[sflag:s29] =	ssyncadd.s32 $0xFFFFFFFF  }
0xb6: {  	_ =	strace $0x90000048  }
0xb7: {  	_ =	sfence  }
0xb8: {  	s30 =	sld [smem:$0x0];
	_ =	sdelay $0x2  }
0xb9: {  	s31 =	sshll.u32 s1, $0xD;
	s1 =	sshrl.u32 s1, $0x2  }
0xba: {  	s3 =	sand.u32 $0x4000, s31;
	s1 =	sadd.s32 s1, s30  }
0xbb: {  	s0 =	sor.u32 s3, s0;
	s1 =	sshll.u32 s1, $0x11  }
0xbc: {  	s0 =	sor.u32 s1, s0  }
0xbd: {  	s0 =	sadd.s32 $0x8F2B, s0  }
0xbe: {  	[sflag:s0] =	ssyncadd.remote.s32 $0x1  }
0xbf: {  	_ =	sfence.sel $0xFFFF  }
0xc0: {  	[dreg:$0x0] =	wrdreg $0xFFFFFFFF;
	(pc) =	sbr.abs _section_cstart, $3  }
0xc1: {  	[dreg:$0x1] =	wrdreg $0xFFFFFFFF  }
0xc2: {  	_ =	task.clear_ibuf [dreg:s7], $0x2FFFF;
	_ =	strace $0x9FFFFFFF  }
0xc3: {  	(tm) =	ssettm $0x7FFFFFFF  }
tec
execute0_lowered:
.L_overlay_start_1:
0x0: {  	(tag) =	ssettag $0x1  }
0x1: {  	s1 =	rddreg [dreg:$0x0]  }
0x2: {  	s0 =	srdreg.scid;
	s5 =	rddreg [dreg:$0x1]  }
0x3: {  	s3 =	rddreg [dreg:$0x2];
	s6 =	sand.u32 $0x1, s0  }
0x4: {  	s0 =	stileid.u32;
	s7 =	smul.u32 $0x27100, s6  }
0x5: {  	s2 =	rddreg [dreg:$0x3];
	s8 =	smul.u32 $0x2710, s0  }
0x6: {  	s4 =	simm.s32 $0x0;
	s13 =	simm.s32 $0x50;
	s26 =	smul.u32 $0x13C00, s0  }
0x7: {  	s14 =	simm.s32 $0x0;
	[smem:$0x7FF] =	sst s4;
	s9 =	smul.u32 $0x13C000, s6  }
0x8: {  	_ =	strace $0x80000047;
	s6 =	ssub.s32 $0x2, s6;
	s29 =	smul.u32 $0x4F000, s0  }
0x9: {  	s31 =	sshll.u32 s0, $0x6;
	s11 =	sshrl.u32 s6, $0x1;
	s7 =	sadd.s32 s8, s7  }
0xa: {  	s28 =	sshrl.u32 s26, $0x3;
	s8 =	sadd.s32 s26, s9;
	s11 =	ssub.s32 s6, s11  }
0xb: {  	s30 =	sshrl.u32 s29, $0x2;
	s6 =	sor.u32 $0x1C01, s31;
	s7 =	sshrl.u32 s7, $0x3  }
0xc: {  	s8 =	sshrl.u32 s8, $0x3;
	s10 =	sadd.s32 s7, s5;
	s7 =	sadd.s32 s28, s5  }
0xd: {  	s12 =	sadd.s32 s30, s3;
	s8 =	sadd.s32 s8, s5;
	s5 =	sadd.s32 $0x15E00, s7  }
0xe: {  	s7 =	sadd.s32 $0x3D600, s8;
	s8 =	smax.u32 s11, $0x1;
	s9 =	sadd.s32 $0xC000, s10  }
0xf: {  	s10 =	sshrl.u32 s12, $0x3;
	s11 =	simm.s32 $0x1;
	s12 =	simm.s32 $0x80  }
.LBB2_1:
0x10: {  	[spmem:s10], [sflag:s6] =	dma.local [hbm:s5], $0x2780  }
0x11: {  	_ =	swait.ge [sflag:s11], $0x2780  }
0x12: {  	[sflag:s11] =	ssyncset.done $0x0  }
0x13: {  	[sflag:s11] =	ssyncadd.s32 $0xFFFFD880  }
0x14: {  	[tilespmem:s12], [sflag:$0x1] =	stream.linear.gather [hbm4b:s1+s4], $0x2800, $0x38;
	[tilespmem:$0x16480] =	vst v63  }
0x15: {  	_ =	swait.ge [sflag:s11], $0x2800  }
0x16: {  	[sflag:s11] =	ssyncset.done $0x0  }
0x17: {  	[sflag:s11] =	ssyncadd.s32 $0xFFFFD800  }
0x18: {  	s15 =	sadd.s32 $0x0, s9;
	[bflag:$0x0] =	sbarrier.arrive $0xFFFF  }
0x19: {  	[tilespmem:s4], [sflag:$0x1] =	stream.linear.gather [hbm4b:s15+s4], $0x50, $0x38;
	[tilespmem:$0x16480] =	vst v63  }
0x1a: {  	_ =	swait.ge [sflag:s11], $0x50  }
0x1b: {  	[sflag:s11] =	ssyncset.done $0x0  }
0x1c: {  	[sflag:s11] =	ssyncadd.s32 $0xFFFFFFB0  }
0x1d: {  	[spmem:s3] =	stream.indirect.scatter.add.f32 [tilespmem:s12], [sflag:$0x1], $0x80, s4, s13, $0xb8;
	[tilespmem:$0x16480] =	vst v63  }
0x1e: {  	_ =	swait.ge [sflag:s11], $0x2800  }
0x1f: {  	s16 =	simm.s32 $0x14;
	s15 =	simm.s32 $0xA;
	[sflag:s11] =	ssyncset.done $0x0  }
.LBB2_2:
0x20: {  	s17 =	sadd.s32 s15, s9  }
0x21: {  	[sflag:s11] =	ssyncadd.s32 $0xFFFFD800;
	s15 =	smov.u32 s16;
	s18 =	sadd.s32 $0xA, s16  }
0x22: {  	[tilespmem:s4], [sflag:$0x1] =	stream.linear.gather [hbm4b:s17+s4], $0x50, $0x38;
	[tilespmem:$0x16480] =	vst v63  }
0x23: {  	p0 =	sne.s32 s16, $0x4D8;
	_ =	swait.ge [sflag:s11], $0x50  }
.Ltmp0:
0x24: {  	[sflag:s11] =	ssyncset.done $0x0;
	(pc) =	sbr.rel @p0 .LBB2_2-.Ltmp0, $4  }
0x25: {  	[sflag:s11] =	ssyncadd.s32 $0xFFFFFFB0  }
0x26: {  	[spmem:s3] =	stream.indirect.scatter.add.f32 [tilespmem:s12], [sflag:$0x1], $0x80, s4, s13, $0xb8;
	[tilespmem:$0x16480] =	vst v63  }
0x27: {  	_ =	swait.ge [sflag:s11], $0x2800  }
0x28: {  	s16 =	smov.u32 s18;
	[sflag:s11] =	ssyncset.done $0x0  }
0x29: {  	s15 =	sadd.s32 s15, s9;
	[sflag:s11] =	ssyncadd.s32 $0xFFFFD800  }
0x2a: {  	[tilespmem:s4], [sflag:$0x1] =	stream.linear.gather [hbm4b:s15+s4], $0x50, $0x38;
	[tilespmem:$0x16480] =	vst v63  }
0x2b: {  	_ =	swait.ge [sflag:s11], $0x50  }
0x2c: {  	[sflag:s11] =	ssyncset.done $0x0  }
0x2d: {  	[sflag:s11] =	ssyncadd.s32 $0xFFFFFFB0  }
0x2e: {  	[spmem:s3] =	stream.indirect.scatter.add.f32 [tilespmem:s12], [sflag:$0x1], $0x80, s4, s13, $0xb8;
	[tilespmem:$0x16480] =	vst v63  }
0x2f: {  	_ =	swait.ge [sflag:s11], $0x2800  }
0x30: {  	s14 =	sadd.s32 $0x1, s14;
	[sflag:s11] =	ssyncset.done $0x0  }
0x31: {  	p0 =	sne.s32 s14, s8;
	[sflag:s11] =	ssyncadd.s32 $0xFFFFD800  }
.Ltmp1:
0x32: {  	[bflag:$0x0] =	sbarrier.arrive $0xFFFF;
	(pc) =	sbr.rel @p0 .LBB2_1-.Ltmp1, $4  }
0x33: {  	[hbm:s7], [sflag:s6] =	dma.local [spmem:s10], $0x2780  }
0x34: {  	_ =	swait.ge [sflag:s11], $0x2780  }
0x35: {  	[sflag:s11] =	ssyncset.done $0x0  }
0x36: {  	[sflag:s11] =	ssyncadd.s32 $0xFFFFD880  }
0x37: {  	_ =	sfence.sel $0x180000  }
0x38: {  	[bflag:$0x0] =	sbarrier.arrive $0xFFFF  }
0x39: {  	p0 =	sne.s32 s0, $0x0;
	_ =	strace $0x90000047  }
0x3a: {  	s0 =	sadd.s32 @!p0 $0x100000, s2;
	[bflag:$0x2] =	sbarrier.arrive $0xFFFF  }
0x3b: {  	[sflag:s0] =	ssyncadd.tile.s32 @!p0 $0x1;
	_ =	shalt  }
.Lfunc_end2:
_tile_overlayer_lowered:
.L_overlay_start_2:
0x3c: {  	(tag) =	ssettag $0x2  }
0x3d: {  	s0 =	rddreg [dreg:$0x0];
	s2 =	stileid.u32  }
0x3e: {  	s1 =	rddreg [dreg:$0x1];
	p0 =	sne.s32 s2, $0x0  }
0x3f: {  	s3 =	rddreg [dreg:$0x2];
	[bflag:$0x3] =	sbarrier.arrive $0xFFFF;
	s2 =	simm.s32 @!p0 $0x1C01  }
0x40: {  	[timem:s3], [sflag:s2] =	dma.local @!p0 [hbm:s0], s1  }
0x41: {  	s0 =	simm.s32 @!p0 $0x1  }
0x42: {  	_ =	swait.ge @!p0 [sflag:s0], s1  }
0x43: {  	s1 =	ssub.s32 @!p0 $0x0, s1;
	[sflag:s0] =	ssyncset.done @!p0 $0x0  }
0x44: {  	[sflag:s0] =	ssyncadd.s32 @!p0 s1  }
0x45: {  	[bflag:$0x3] =	sbarrier.arrive $0xFFFF  }
0x46: {  	_ =	shalt  }

</sc_bundles>
